<compile_context>
chip_gen: v7x
topology: tpu7x:2x2x1
jax: 0.10.2.dev20260603
libtpu: 0.0.44.dev20260713+nightly
codegen_flags: <defaults>
</compile_context>

<pallas_src>
import functools

import jax
import jax.numpy as jnp
from jax import lax
from jax.experimental import pallas as pl
from jax.experimental.pallas import tpu as pltpu
from jax.experimental.pallas import tpu_sc as plsc
from jax._src.pallas import mpmd as _mpmd

_B = 1024
_D = 16
_N = 1000000
_TEMP = 0.07
_MOM = 0.5
_EPS = 1e-12

_R = 4096
_NB = -(-_N // _R)
_LOG2E = 1.4426950408889634
_K2 = _LOG2E / _TEMP
_B2 = -_LOG2E / _TEMP
_NC = 2
_NS = 16
_NW = _NC * _NS
_RPW = _B // _NW
_EPW = _RPW * _D


def _tc_body(ft_ref, gt_ref, bankt_ref, gnt_ref, loss_ref,
             fnt_ref, fntb_ref, acc_ref):
    i = pl.program_id(0)
    nb = pl.num_programs(0)

    @pl.when(i == 0)
    def _init():
        ft = ft_ref[...]
        ss = jnp.sum(ft * ft, axis=0, keepdims=True)
        fnt = ft / jnp.maximum(jnp.sqrt(ss), _EPS)
        fnt_ref[...] = fnt
        fntb_ref[...] = fnt.astype(jnp.bfloat16)
        acc_ref[...] = jnp.zeros_like(acc_ref)

    blkt = bankt_ref[...]
    s = lax.dot_general(blkt.astype(jnp.bfloat16), fntb_ref[...],
                        (((0,), (0,)), ((), ())),
                        preferred_element_type=jnp.float32)
    e = jnp.exp2(s * _K2 + _B2)

    @pl.when(i < nb - 1)
    def _accum():
        acc_ref[...] += jnp.sum(e.reshape(_R // 8, 8, _B), axis=0)

    @pl.when(i == nb - 1)
    def _fin():
        rows = lax.broadcasted_iota(jnp.int32, (_R, _B), 0)
        e2 = jnp.where(rows < _N - (_NB - 1) * _R, e, 0.0)
        am = acc_ref[...] + jnp.sum(e2.reshape(_R // 8, 8, _B), axis=0)
        gt = gt_ref[...]
        gss = jnp.sum(gt * gt, axis=0, keepdims=True)
        gnt = gt / jnp.maximum(jnp.sqrt(gss), _EPS)
        gnt_ref[...] = gnt
        pos = jnp.sum(fnt_ref[...] * gnt, axis=0)
        total = jnp.sum(am, axis=0) \
            + jnp.exp((pos - 1.0) * (1.0 / _TEMP))
        lvec = (1.0 / _TEMP) + jnp.log(total) - pos * (1.0 / _TEMP)
        loss_ref[...] = jnp.broadcast_to(jnp.mean(lvec), (1, 1))


def _rsqrt_newton(x):
    xi = lax.bitcast_convert_type(x, jnp.int32)
    yi = jnp.int32(0x5F3759DF) - lax.shift_right_logical(xi, 1)
    y = lax.bitcast_convert_type(yi, jnp.float32)
    for _ in range(3):
        y = y * (1.5 - 0.5 * x * y * y)
    return y


def _sc_body(gnt_hbm, idx_hbm, bank_in, bank_out, idx_v, gnt_v, old_v, new_v,
             sem):
    wid = lax.axis_index("s") * _NC + lax.axis_index("c")
    base = wid * _RPW
    pltpu.sync_copy(idx_hbm.at[pl.ds(base, _RPW)], idx_v)
    pltpu.sync_copy(gnt_hbm.at[:, pl.ds(base, _RPW)], gnt_v)
    pltpu.async_copy(bank_in.at[idx_v], old_v, sem).wait()
    for c in range(_RPW // 16):
        rows = lax.iota(jnp.int32, 16) + jnp.int32(c * 16)
        vs = []
        acc = jnp.zeros((16,), jnp.float32)
        for k in range(_D):
            dcol = jnp.full((16,), k, jnp.int32)
            u = (plsc.load_gather(old_v, [rows, dcol]) * _MOM
                 + gnt_v[k, pl.ds(c * 16, 16)] * (1.0 - _MOM))
            vs.append(u)
            acc += u * u
        rs = _rsqrt_newton(acc)
        for k in range(_D):
            dcol = jnp.full((16,), k, jnp.int32)
            plsc.store_scatter(new_v, [rows, dcol], vs[k] * rs)
    pltpu.async_copy(new_v, bank_out.at[idx_v], sem).wait()


@functools.cache
def _sc_update():
    mesh = plsc.VectorSubcoreMesh(core_axis_name="c", subcore_axis_name="s",
                                  num_cores=_NC, num_subcores=_NS)
    return _mpmd._mpmd_map(
        [(mesh, _sc_body)],
        [jax.ShapeDtypeStruct((_N, _D), jnp.float32)],
        input_output_aliases={2: 0},
        scratch_types=[
            pltpu.VMEM((_RPW,), jnp.int32),
            pltpu.VMEM((_D, _RPW), jnp.float32),
            pltpu.VMEM((_RPW, _D), jnp.float32),
            pltpu.VMEM((_RPW, _D), jnp.float32),
            pltpu.SemaphoreType.DMA,
        ],
        compiler_params=pltpu.CompilerParams(needs_layout_passes=False,
                                             use_tc_tiling_on_sc=False),
    )


_tc_pass = pl.pallas_call(
    _tc_body,
    grid=(_NB,),
    in_specs=[
        pl.BlockSpec((_D, _B), lambda i: (0, 0)),
        pl.BlockSpec((_D, _B), lambda i: (0, 0)),
        pl.BlockSpec((_D, _R), lambda i: (0, i)),
    ],
    out_specs=[
        pl.BlockSpec((_D, _B), lambda i: (0, 0)),
        pl.BlockSpec((1, 1), lambda i: (0, 0)),
    ],
    out_shape=[
        jax.ShapeDtypeStruct((_D, _B), jnp.float32),
        jax.ShapeDtypeStruct((1, 1), jnp.float32),
    ],
    scratch_shapes=[
        pltpu.VMEM((_D, _B), jnp.float32),
        pltpu.VMEM((_D, _B), jnp.bfloat16),
        pltpu.VMEM((8, _B), jnp.float32),
    ],
)


def kernel(f, g, memory_bank, update_idx):
    gnt, loss11 = _tc_pass(f.T, g.T, memory_bank.T)
    (new_bank,) = _sc_update()(gnt, update_idx, jnp.copy(memory_bank))
    return loss11[0, 0], new_bank

# --- scband reference (transcript-rebuilt; emitter-appended) ---
"""Pipeline reference for scband-memory-bank-loss-89464168776268 (READ-ONLY COPY).

The authoritative reference and input builder live on the scoring server;
editing this copy changes nothing except your own understanding.
"""

import jax, jax.numpy as jnp
import numpy as np

BATCH = 1024
EMBEDDING_DIM = 16
MEMORY_BANK_SIZE = 1000000
TEMPERATURE = 0.07
MOMENTUM = 0.5


def _l2_normalize(x, axis=1, eps=1e-12):
    n = jnp.linalg.norm(x, axis=axis, keepdims=True)
    return x / jnp.maximum(n, eps)


def setup_inputs(seed: int = 0) -> dict:
    key = jax.random.key(seed)
    k1, k2, k3, k4 = jax.random.split(key, 4)
    f = jax.random.normal(k1, (BATCH, EMBEDDING_DIM), dtype=jnp.float32)
    g = jax.random.normal(k2, (BATCH, EMBEDDING_DIM), dtype=jnp.float32)
    memory_bank = jax.random.normal(k3, (MEMORY_BANK_SIZE, EMBEDDING_DIM), dtype=jnp.float32)
    # loss_type == 'angular': bank is L2-normalized at init (register_buffer)
    memory_bank = _l2_normalize(memory_bank, axis=1)
    # stand-in for torch.randperm(memory_bank_size)[:batch]
    update_idx = jax.random.permutation(k4, MEMORY_BANK_SIZE)[:BATCH].astype(jnp.int32)
    return {"f": f, "g": g, "memory_bank": memory_bank, "update_idx": update_idx}


def reference(f, g, memory_bank, update_idx):
    # loss_type == 'angular'
    f_n = _l2_normalize(f, axis=1)
    g_n = _l2_normalize(g, axis=1)
    pos_logits = jnp.sum(f_n * g_n, axis=1, keepdims=True) / TEMPERATURE
    neg_logits = jnp.matmul(f_n, memory_bank.T) / TEMPERATURE
    logits = jnp.concatenate([pos_logits, neg_logits], axis=1)
    # cross_entropy with labels == 0 (positive is always column 0)
    loss = jnp.mean(jax.nn.logsumexp(logits, axis=1) - logits[:, 0])
    # no-grad memory bank momentum update (scatter-overwrite of selected rows)
    old_rows = jnp.take(memory_bank, update_idx, axis=0)
    updated = MOMENTUM * old_rows + (1.0 - MOMENTUM) * jax.lax.stop_gradient(g_n)
    updated = _l2_normalize(updated, axis=1)
    new_memory_bank = memory_bank.at[update_idx].set(updated)
    return loss, new_memory_bank

if __name__ == "__main__":
    import jax
    _d = setup_inputs()
    print(jax.jit(kernel)(*tuple(_d.values())))

</pallas_src>

<mosaic_0001>
#map = affine_map<(d0, d1) -> (0, 0)>
#map1 = affine_map<(d0, d1) -> (0)>
module attributes {stable_mosaic.version = 14 : i64} {
  func.func @_sc_body(%arg0: i32, %arg1: i32, %arg2: memref<16x1024xf32, #tpu.memory_space<hbm>>, %arg3: memref<1024xi32, #tpu.memory_space<hbm>>, %arg4: memref<1000000x16xf32, #tpu.memory_space<hbm>>, %arg5: memref<1000000x16xf32, #tpu.memory_space<hbm>>, %arg6: memref<32xi32, #tpu.memory_space<vmem>>, %arg7: memref<16x32xf32, #tpu.memory_space<vmem>>, %arg8: memref<32x16xf32, #tpu.memory_space<vmem>>, %arg9: memref<32x16xf32, #tpu.memory_space<vmem>>, %arg10: memref<!tpu.dma_semaphore, #tpu.memory_space<semaphore_mem>>) attributes {dimension_semantics = [#tpu.dimension_semantics<core_parallel>, #tpu.dimension_semantics<subcore_parallel>], iteration_bounds = array<i64: 2, 16>, scalar_prefetch = 0 : i64, scratch_operands = 5 : i64, tpu.core_type = #tpu.core_type<sc_vector_subcore>, window_params = [{transform_indices = #map}, {transform_indices = #map1}, {transform_indices = #map}, {transform_indices = #map}]} {
    %mul3A = arith.constant 2 : i32
    %mul3A_0 = arith.muli %arg1, %mul3A : i32
    %add3A = arith.addi %mul3A_0, %arg0 : i32
    %mul3A_1 = arith.constant 32 : i32
    %mul3A_2 = arith.muli %add3A, %mul3A_1 : i32
    "tpu.region"() ({
      %run_scoped3A = tpu.sem_alloc : memref<!tpu.dma_semaphore, #tpu.memory_space<semaphore_mem>>
      %dma_start3A_696 = tpu.memref_slice %arg3[%mul3A_2] : memref<1024xi32, #tpu.memory_space<hbm>> -> memref<32xi32, #tpu.memory_space<hbm>>
      %dma_start3A_697 = tpu.memref_slice %arg3[%mul3A_2] : memref<1024xi32, #tpu.memory_space<hbm>> -> memref<32xi32, #tpu.memory_space<hbm>>
      tpu.enqueue_dma source(%dma_start3A_697 : memref<32xi32, #tpu.memory_space<hbm>>) target(%arg6 : memref<32xi32, #tpu.memory_space<vmem>>) target_semaphore(%run_scoped3A : memref<!tpu.dma_semaphore, #tpu.memory_space<semaphore_mem>>)
      %dma_wait3A_698 = tpu.memref_slice %arg3[%mul3A_2] : memref<1024xi32, #tpu.memory_space<hbm>> -> memref<32xi32, #tpu.memory_space<hbm>>
      %dma_wait3A_699 = tpu.memref_slice %arg3[%mul3A_2] : memref<1024xi32, #tpu.memory_space<hbm>> -> memref<32xi32, #tpu.memory_space<hbm>>
      tpu.wait_dma2 semaphore(%run_scoped3A : memref<!tpu.dma_semaphore, #tpu.memory_space<semaphore_mem>>) src(%dma_wait3A_699 : memref<32xi32, #tpu.memory_space<hbm>>) dst(%arg6 : memref<32xi32, #tpu.memory_space<vmem>>)
      tpu.yield
    }) : () -> ()
    "tpu.region"() ({
      %run_scoped3A = tpu.sem_alloc : memref<!tpu.dma_semaphore, #tpu.memory_space<semaphore_mem>>
      %dma_start3A_696 = arith.constant 0 : i32
      %dma_start3A_697 = tpu.memref_slice %arg2[%dma_start3A_696, %mul3A_2] : memref<16x1024xf32, #tpu.memory_space<hbm>> -> memref<16x32xf32, #tpu.memory_space<hbm>>
      %dma_start3A_698 = arith.constant 0 : i32
      %dma_start3A_699 = tpu.memref_slice %arg2[%dma_start3A_698, %mul3A_2] : memref<16x1024xf32, #tpu.memory_space<hbm>> -> memref<16x32xf32, #tpu.memory_space<hbm>>
      tpu.enqueue_dma source(%dma_start3A_699 : memref<16x32xf32, #tpu.memory_space<hbm>>) target(%arg7 : memref<16x32xf32, #tpu.memory_space<vmem>>) target_semaphore(%run_scoped3A : memref<!tpu.dma_semaphore, #tpu.memory_space<semaphore_mem>>)
      %dma_wait3A_700 = arith.constant 0 : i32
      %dma_wait3A_701 = tpu.memref_slice %arg2[%dma_wait3A_700, %mul3A_2] : memref<16x1024xf32, #tpu.memory_space<hbm>> -> memref<16x32xf32, #tpu.memory_space<hbm>>
      %dma_wait3A_702 = arith.constant 0 : i32
      %dma_wait3A_703 = tpu.memref_slice %arg2[%dma_wait3A_702, %mul3A_2] : memref<16x1024xf32, #tpu.memory_space<hbm>> -> memref<16x32xf32, #tpu.memory_space<hbm>>
      tpu.wait_dma2 semaphore(%run_scoped3A : memref<!tpu.dma_semaphore, #tpu.memory_space<semaphore_mem>>) src(%dma_wait3A_703 : memref<16x32xf32, #tpu.memory_space<hbm>>) dst(%arg7 : memref<16x32xf32, #tpu.memory_space<vmem>>)
      tpu.yield
    }) : () -> ()
    %dma_start3A = arith.constant 0 : i32
    %dma_start3A_3 = arith.constant 0 : i32
    %dma_start3A_4 = tpu.memref_slice %arg4[%dma_start3A, %dma_start3A_3] : memref<1000000x16xf32, #tpu.memory_space<hbm>> -> memref<1000000x16xf32, #tpu.memory_space<hbm>>
    tpu.enqueue_indirect_dma source(%dma_start3A_4 : memref<1000000x16xf32, #tpu.memory_space<hbm>>) target(%arg8 : memref<32x16xf32, #tpu.memory_space<vmem>>) offsets(%arg6 : memref<32xi32, #tpu.memory_space<vmem>>) semaphore(%arg10 : memref<!tpu.dma_semaphore, #tpu.memory_space<semaphore_mem>>)
    %dma_wait3A = arith.constant 0 : i32
    %dma_wait3A_5 = arith.constant 0 : i32
    %dma_wait3A_6 = tpu.memref_slice %arg4[%dma_wait3A, %dma_wait3A_5] : memref<1000000x16xf32, #tpu.memory_space<hbm>> -> memref<1000000x16xf32, #tpu.memory_space<hbm>>
    tpu.wait_indirect_dma semaphore(%arg10 : memref<!tpu.dma_semaphore, #tpu.memory_space<semaphore_mem>>) src(%dma_wait3A_6 : memref<1000000x16xf32, #tpu.memory_space<hbm>>) dst(%arg8 : memref<32x16xf32, #tpu.memory_space<vmem>>)
    %iota3A = tpu.iota {dimensions = array<i32: 0>} : vector<16xi32>
    %add3A_7 = arith.constant 0 : i32
    %add3A_8 = vector.broadcast %add3A_7 : i32 to vector<16xi32>
    %add3A_9 = arith.addi %iota3A, %add3A_8 : vector<16xi32>
    %broadcast_in_dim3A = arith.constant 0.000000e+00 : f32
    %broadcast_in_dim3A_10 = vector.broadcast %broadcast_in_dim3A : f32 to vector<16xf32>
    %broadcast_in_dim3A_11 = arith.constant 0 : i32
    %broadcast_in_dim3A_12 = vector.broadcast %broadcast_in_dim3A_11 : i32 to vector<16xi32>
    %gather3A = tpu.vector_load_idx %arg8[%add3A_9, %broadcast_in_dim3A_12] : memref<32x16xf32, #tpu.memory_space<vmem>>[vector<16xi32>, vector<16xi32>], vector<16xf32>,
    %mul3A_13 = arith.constant 5.000000e-01 : f32
    %mul3A_14 = vector.broadcast %mul3A_13 : f32 to vector<16xf32>
    %mul3A_15 = arith.mulf %gather3A, %mul3A_14 : vector<16xf32>
    %get3A = arith.constant 0 : i32
    %get3A_16 = arith.index_cast %get3A : i32 to index
    %get3A_17 = arith.constant 0 : index
    %get3A_18 = tpu.vector_load %arg7[%get3A_16, %get3A_17] {strides = array<i32>} : memref<16x32xf32, #tpu.memory_space<vmem>>, vector<16xf32>,
    %mul3A_19 = arith.constant 5.000000e-01 : f32
    %mul3A_20 = vector.broadcast %mul3A_19 : f32 to vector<16xf32>
    %mul3A_21 = arith.mulf %get3A_18, %mul3A_20 : vector<16xf32>
    %add3A_22 = arith.addf %mul3A_15, %mul3A_21 : vector<16xf32>
    %mul3A_23 = arith.mulf %add3A_22, %add3A_22 : vector<16xf32>
    %add3A_24 = arith.addf %broadcast_in_dim3A_10, %mul3A_23 : vector<16xf32>
    %broadcast_in_dim3A_25 = arith.constant 1 : i32
    %broadcast_in_dim3A_26 = vector.broadcast %broadcast_in_dim3A_25 : i32 to vector<16xi32>
    %gather3A_27 = tpu.vector_load_idx %arg8[%add3A_9, %broadcast_in_dim3A_26] : memref<32x16xf32, #tpu.memory_space<vmem>>[vector<16xi32>, vector<16xi32>], vector<16xf32>,
    %mul3A_28 = arith.constant 5.000000e-01 : f32
    %mul3A_29 = vector.broadcast %mul3A_28 : f32 to vector<16xf32>
    %mul3A_30 = arith.mulf %gather3A_27, %mul3A_29 : vector<16xf32>
    %get3A_31 = arith.constant 1 : i32
    %get3A_32 = arith.index_cast %get3A_31 : i32 to index
    %get3A_33 = arith.constant 0 : index
    %get3A_34 = tpu.vector_load %arg7[%get3A_32, %get3A_33] {strides = array<i32>} : memref<16x32xf32, #tpu.memory_space<vmem>>, vector<16xf32>,
    %mul3A_35 = arith.constant 5.000000e-01 : f32
    %mul3A_36 = vector.broadcast %mul3A_35 : f32 to vector<16xf32>
    %mul3A_37 = arith.mulf %get3A_34, %mul3A_36 : vector<16xf32>
    %add3A_38 = arith.addf %mul3A_30, %mul3A_37 : vector<16xf32>
    %mul3A_39 = arith.mulf %add3A_38, %add3A_38 : vector<16xf32>
    %add3A_40 = arith.addf %add3A_24, %mul3A_39 : vector<16xf32>
    %broadcast_in_dim3A_41 = arith.constant 2 : i32
    %broadcast_in_dim3A_42 = vector.broadcast %broadcast_in_dim3A_41 : i32 to vector<16xi32>
    %gather3A_43 = tpu.vector_load_idx %arg8[%add3A_9, %broadcast_in_dim3A_42] : memref<32x16xf32, #tpu.memory_space<vmem>>[vector<16xi32>, vector<16xi32>], vector<16xf32>,
    %mul3A_44 = arith.constant 5.000000e-01 : f32
    %mul3A_45 = vector.broadcast %mul3A_44 : f32 to vector<16xf32>
    %mul3A_46 = arith.mulf %gather3A_43, %mul3A_45 : vector<16xf32>
    %get3A_47 = arith.constant 2 : i32
    %get3A_48 = arith.index_cast %get3A_47 : i32 to index
    %get3A_49 = arith.constant 0 : index
    %get3A_50 = tpu.vector_load %arg7[%get3A_48, %get3A_49] {strides = array<i32>} : memref<16x32xf32, #tpu.memory_space<vmem>>, vector<16xf32>,
    %mul3A_51 = arith.constant 5.000000e-01 : f32
    %mul3A_52 = vector.broadcast %mul3A_51 : f32 to vector<16xf32>
    %mul3A_53 = arith.mulf %get3A_50, %mul3A_52 : vector<16xf32>
    %add3A_54 = arith.addf %mul3A_46, %mul3A_53 : vector<16xf32>
    %mul3A_55 = arith.mulf %add3A_54, %add3A_54 : vector<16xf32>
    %add3A_56 = arith.addf %add3A_40, %mul3A_55 : vector<16xf32>
    %broadcast_in_dim3A_57 = arith.constant 3 : i32
    %broadcast_in_dim3A_58 = vector.broadcast %broadcast_in_dim3A_57 : i32 to vector<16xi32>
    %gather3A_59 = tpu.vector_load_idx %arg8[%add3A_9, %broadcast_in_dim3A_58] : memref<32x16xf32, #tpu.memory_space<vmem>>[vector<16xi32>, vector<16xi32>], vector<16xf32>,
    %mul3A_60 = arith.constant 5.000000e-01 : f32
    %mul3A_61 = vector.broadcast %mul3A_60 : f32 to vector<16xf32>
    %mul3A_62 = arith.mulf %gather3A_59, %mul3A_61 : vector<16xf32>
    %get3A_63 = arith.constant 3 : i32
    %get3A_64 = arith.index_cast %get3A_63 : i32 to index
    %get3A_65 = arith.constant 0 : index
    %get3A_66 = tpu.vector_load %arg7[%get3A_64, %get3A_65] {strides = array<i32>} : memref<16x32xf32, #tpu.memory_space<vmem>>, vector<16xf32>,
    %mul3A_67 = arith.constant 5.000000e-01 : f32
    %mul3A_68 = vector.broadcast %mul3A_67 : f32 to vector<16xf32>
    %mul3A_69 = arith.mulf %get3A_66, %mul3A_68 : vector<16xf32>
    %add3A_70 = arith.addf %mul3A_62, %mul3A_69 : vector<16xf32>
    %mul3A_71 = arith.mulf %add3A_70, %add3A_70 : vector<16xf32>
    %add3A_72 = arith.addf %add3A_56, %mul3A_71 : vector<16xf32>
    %broadcast_in_dim3A_73 = arith.constant 4 : i32
    %broadcast_in_dim3A_74 = vector.broadcast %broadcast_in_dim3A_73 : i32 to vector<16xi32>
    %gather3A_75 = tpu.vector_load_idx %arg8[%add3A_9, %broadcast_in_dim3A_74] : memref<32x16xf32, #tpu.memory_space<vmem>>[vector<16xi32>, vector<16xi32>], vector<16xf32>,
    %mul3A_76 = arith.constant 5.000000e-01 : f32
    %mul3A_77 = vector.broadcast %mul3A_76 : f32 to vector<16xf32>
    %mul3A_78 = arith.mulf %gather3A_75, %mul3A_77 : vector<16xf32>
    %get3A_79 = arith.constant 4 : i32
    %get3A_80 = arith.index_cast %get3A_79 : i32 to index
    %get3A_81 = arith.constant 0 : index
    %get3A_82 = tpu.vector_load %arg7[%get3A_80, %get3A_81] {strides = array<i32>} : memref<16x32xf32, #tpu.memory_space<vmem>>, vector<16xf32>,
    %mul3A_83 = arith.constant 5.000000e-01 : f32
    %mul3A_84 = vector.broadcast %mul3A_83 : f32 to vector<16xf32>
    %mul3A_85 = arith.mulf %get3A_82, %mul3A_84 : vector<16xf32>
    %add3A_86 = arith.addf %mul3A_78, %mul3A_85 : vector<16xf32>
    %mul3A_87 = arith.mulf %add3A_86, %add3A_86 : vector<16xf32>
    %add3A_88 = arith.addf %add3A_72, %mul3A_87 : vector<16xf32>
    %broadcast_in_dim3A_89 = arith.constant 5 : i32
    %broadcast_in_dim3A_90 = vector.broadcast %broadcast_in_dim3A_89 : i32 to vector<16xi32>
    %gather3A_91 = tpu.vector_load_idx %arg8[%add3A_9, %broadcast_in_dim3A_90] : memref<32x16xf32, #tpu.memory_space<vmem>>[vector<16xi32>, vector<16xi32>], vector<16xf32>,
    %mul3A_92 = arith.constant 5.000000e-01 : f32
    %mul3A_93 = vector.broadcast %mul3A_92 : f32 to vector<16xf32>
    %mul3A_94 = arith.mulf %gather3A_91, %mul3A_93 : vector<16xf32>
    %get3A_95 = arith.constant 5 : i32
    %get3A_96 = arith.index_cast %get3A_95 : i32 to index
    %get3A_97 = arith.constant 0 : index
    %get3A_98 = tpu.vector_load %arg7[%get3A_96, %get3A_97] {strides = array<i32>} : memref<16x32xf32, #tpu.memory_space<vmem>>, vector<16xf32>,
    %mul3A_99 = arith.constant 5.000000e-01 : f32
    %mul3A_100 = vector.broadcast %mul3A_99 : f32 to vector<16xf32>
    %mul3A_101 = arith.mulf %get3A_98, %mul3A_100 : vector<16xf32>
    %add3A_102 = arith.addf %mul3A_94, %mul3A_101 : vector<16xf32>
    %mul3A_103 = arith.mulf %add3A_102, %add3A_102 : vector<16xf32>
    %add3A_104 = arith.addf %add3A_88, %mul3A_103 : vector<16xf32>
    %broadcast_in_dim3A_105 = arith.constant 6 : i32
    %broadcast_in_dim3A_106 = vector.broadcast %broadcast_in_dim3A_105 : i32 to vector<16xi32>
    %gather3A_107 = tpu.vector_load_idx %arg8[%add3A_9, %broadcast_in_dim3A_106] : memref<32x16xf32, #tpu.memory_space<vmem>>[vector<16xi32>, vector<16xi32>], vector<16xf32>,
    %mul3A_108 = arith.constant 5.000000e-01 : f32
    %mul3A_109 = vector.broadcast %mul3A_108 : f32 to vector<16xf32>
    %mul3A_110 = arith.mulf %gather3A_107, %mul3A_109 : vector<16xf32>
    %get3A_111 = arith.constant 6 : i32
    %get3A_112 = arith.index_cast %get3A_111 : i32 to index
    %get3A_113 = arith.constant 0 : index
    %get3A_114 = tpu.vector_load %arg7[%get3A_112, %get3A_113] {strides = array<i32>} : memref<16x32xf32, #tpu.memory_space<vmem>>, vector<16xf32>,
    %mul3A_115 = arith.constant 5.000000e-01 : f32
    %mul3A_116 = vector.broadcast %mul3A_115 : f32 to vector<16xf32>
    %mul3A_117 = arith.mulf %get3A_114, %mul3A_116 : vector<16xf32>
    %add3A_118 = arith.addf %mul3A_110, %mul3A_117 : vector<16xf32>
    %mul3A_119 = arith.mulf %add3A_118, %add3A_118 : vector<16xf32>
    %add3A_120 = arith.addf %add3A_104, %mul3A_119 : vector<16xf32>
    %broadcast_in_dim3A_121 = arith.constant 7 : i32
    %broadcast_in_dim3A_122 = vector.broadcast %broadcast_in_dim3A_121 : i32 to vector<16xi32>
    %gather3A_123 = tpu.vector_load_idx %arg8[%add3A_9, %broadcast_in_dim3A_122] : memref<32x16xf32, #tpu.memory_space<vmem>>[vector<16xi32>, vector<16xi32>], vector<16xf32>,
    %mul3A_124 = arith.constant 5.000000e-01 : f32
    %mul3A_125 = vector.broadcast %mul3A_124 : f32 to vector<16xf32>
    %mul3A_126 = arith.mulf %gather3A_123, %mul3A_125 : vector<16xf32>
    %get3A_127 = arith.constant 7 : i32
    %get3A_128 = arith.index_cast %get3A_127 : i32 to index
    %get3A_129 = arith.constant 0 : index
    %get3A_130 = tpu.vector_load %arg7[%get3A_128, %get3A_129] {strides = array<i32>} : memref<16x32xf32, #tpu.memory_space<vmem>>, vector<16xf32>,
    %mul3A_131 = arith.constant 5.000000e-01 : f32
    %mul3A_132 = vector.broadcast %mul3A_131 : f32 to vector<16xf32>
    %mul3A_133 = arith.mulf %get3A_130, %mul3A_132 : vector<16xf32>
    %add3A_134 = arith.addf %mul3A_126, %mul3A_133 : vector<16xf32>
    %mul3A_135 = arith.mulf %add3A_134, %add3A_134 : vector<16xf32>
    %add3A_136 = arith.addf %add3A_120, %mul3A_135 : vector<16xf32>
    %broadcast_in_dim3A_137 = arith.constant 8 : i32
    %broadcast_in_dim3A_138 = vector.broadcast %broadcast_in_dim3A_137 : i32 to vector<16xi32>
    %gather3A_139 = tpu.vector_load_idx %arg8[%add3A_9, %broadcast_in_dim3A_138] : memref<32x16xf32, #tpu.memory_space<vmem>>[vector<16xi32>, vector<16xi32>], vector<16xf32>,
    %mul3A_140 = arith.constant 5.000000e-01 : f32
    %mul3A_141 = vector.broadcast %mul3A_140 : f32 to vector<16xf32>
    %mul3A_142 = arith.mulf %gather3A_139, %mul3A_141 : vector<16xf32>
    %get3A_143 = arith.constant 8 : i32
    %get3A_144 = arith.index_cast %get3A_143 : i32 to index
    %get3A_145 = arith.constant 0 : index
    %get3A_146 = tpu.vector_load %arg7[%get3A_144, %get3A_145] {strides = array<i32>} : memref<16x32xf32, #tpu.memory_space<vmem>>, vector<16xf32>,
    %mul3A_147 = arith.constant 5.000000e-01 : f32
    %mul3A_148 = vector.broadcast %mul3A_147 : f32 to vector<16xf32>
    %mul3A_149 = arith.mulf %get3A_146, %mul3A_148 : vector<16xf32>
    %add3A_150 = arith.addf %mul3A_142, %mul3A_149 : vector<16xf32>
    %mul3A_151 = arith.mulf %add3A_150, %add3A_150 : vector<16xf32>
    %add3A_152 = arith.addf %add3A_136, %mul3A_151 : vector<16xf32>
    %broadcast_in_dim3A_153 = arith.constant 9 : i32
    %broadcast_in_dim3A_154 = vector.broadcast %broadcast_in_dim3A_153 : i32 to vector<16xi32>
    %gather3A_155 = tpu.vector_load_idx %arg8[%add3A_9, %broadcast_in_dim3A_154] : memref<32x16xf32, #tpu.memory_space<vmem>>[vector<16xi32>, vector<16xi32>], vector<16xf32>,
    %mul3A_156 = arith.constant 5.000000e-01 : f32
    %mul3A_157 = vector.broadcast %mul3A_156 : f32 to vector<16xf32>
    %mul3A_158 = arith.mulf %gather3A_155, %mul3A_157 : vector<16xf32>
    %get3A_159 = arith.constant 9 : i32
    %get3A_160 = arith.index_cast %get3A_159 : i32 to index
    %get3A_161 = arith.constant 0 : index
    %get3A_162 = tpu.vector_load %arg7[%get3A_160, %get3A_161] {strides = array<i32>} : memref<16x32xf32, #tpu.memory_space<vmem>>, vector<16xf32>,
    %mul3A_163 = arith.constant 5.000000e-01 : f32
    %mul3A_164 = vector.broadcast %mul3A_163 : f32 to vector<16xf32>
    %mul3A_165 = arith.mulf %get3A_162, %mul3A_164 : vector<16xf32>
    %add3A_166 = arith.addf %mul3A_158, %mul3A_165 : vector<16xf32>
    %mul3A_167 = arith.mulf %add3A_166, %add3A_166 : vector<16xf32>
    %add3A_168 = arith.addf %add3A_152, %mul3A_167 : vector<16xf32>
    %broadcast_in_dim3A_169 = arith.constant 10 : i32
    %broadcast_in_dim3A_170 = vector.broadcast %broadcast_in_dim3A_169 : i32 to vector<16xi32>
    %gather3A_171 = tpu.vector_load_idx %arg8[%add3A_9, %broadcast_in_dim3A_170] : memref<32x16xf32, #tpu.memory_space<vmem>>[vector<16xi32>, vector<16xi32>], vector<16xf32>,
    %mul3A_172 = arith.constant 5.000000e-01 : f32
    %mul3A_173 = vector.broadcast %mul3A_172 : f32 to vector<16xf32>
    %mul3A_174 = arith.mulf %gather3A_171, %mul3A_173 : vector<16xf32>
    %get3A_175 = arith.constant 10 : i32
    %get3A_176 = arith.index_cast %get3A_175 : i32 to index
    %get3A_177 = arith.constant 0 : index
    %get3A_178 = tpu.vector_load %arg7[%get3A_176, %get3A_177] {strides = array<i32>} : memref<16x32xf32, #tpu.memory_space<vmem>>, vector<16xf32>,
    %mul3A_179 = arith.constant 5.000000e-01 : f32
    %mul3A_180 = vector.broadcast %mul3A_179 : f32 to vector<16xf32>
    %mul3A_181 = arith.mulf %get3A_178, %mul3A_180 : vector<16xf32>
    %add3A_182 = arith.addf %mul3A_174, %mul3A_181 : vector<16xf32>
    %mul3A_183 = arith.mulf %add3A_182, %add3A_182 : vector<16xf32>
    %add3A_184 = arith.addf %add3A_168, %mul3A_183 : vector<16xf32>
    %broadcast_in_dim3A_185 = arith.constant 11 : i32
    %broadcast_in_dim3A_186 = vector.broadcast %broadcast_in_dim3A_185 : i32 to vector<16xi32>
    %gather3A_187 = tpu.vector_load_idx %arg8[%add3A_9, %broadcast_in_dim3A_186] : memref<32x16xf32, #tpu.memory_space<vmem>>[vector<16xi32>, vector<16xi32>], vector<16xf32>,
    %mul3A_188 = arith.constant 5.000000e-01 : f32
    %mul3A_189 = vector.broadcast %mul3A_188 : f32 to vector<16xf32>
    %mul3A_190 = arith.mulf %gather3A_187, %mul3A_189 : vector<16xf32>
    %get3A_191 = arith.constant 11 : i32
    %get3A_192 = arith.index_cast %get3A_191 : i32 to index
    %get3A_193 = arith.constant 0 : index
    %get3A_194 = tpu.vector_load %arg7[%get3A_192, %get3A_193] {strides = array<i32>} : memref<16x32xf32, #tpu.memory_space<vmem>>, vector<16xf32>,
    %mul3A_195 = arith.constant 5.000000e-01 : f32
    %mul3A_196 = vector.broadcast %mul3A_195 : f32 to vector<16xf32>
    %mul3A_197 = arith.mulf %get3A_194, %mul3A_196 : vector<16xf32>
    %add3A_198 = arith.addf %mul3A_190, %mul3A_197 : vector<16xf32>
    %mul3A_199 = arith.mulf %add3A_198, %add3A_198 : vector<16xf32>
    %add3A_200 = arith.addf %add3A_184, %mul3A_199 : vector<16xf32>
    %broadcast_in_dim3A_201 = arith.constant 12 : i32
    %broadcast_in_dim3A_202 = vector.broadcast %broadcast_in_dim3A_201 : i32 to vector<16xi32>
    %gather3A_203 = tpu.vector_load_idx %arg8[%add3A_9, %broadcast_in_dim3A_202] : memref<32x16xf32, #tpu.memory_space<vmem>>[vector<16xi32>, vector<16xi32>], vector<16xf32>,
    %mul3A_204 = arith.constant 5.000000e-01 : f32
    %mul3A_205 = vector.broadcast %mul3A_204 : f32 to vector<16xf32>
    %mul3A_206 = arith.mulf %gather3A_203, %mul3A_205 : vector<16xf32>
    %get3A_207 = arith.constant 12 : i32
    %get3A_208 = arith.index_cast %get3A_207 : i32 to index
    %get3A_209 = arith.constant 0 : index
    %get3A_210 = tpu.vector_load %arg7[%get3A_208, %get3A_209] {strides = array<i32>} : memref<16x32xf32, #tpu.memory_space<vmem>>, vector<16xf32>,
    %mul3A_211 = arith.constant 5.000000e-01 : f32
    %mul3A_212 = vector.broadcast %mul3A_211 : f32 to vector<16xf32>
    %mul3A_213 = arith.mulf %get3A_210, %mul3A_212 : vector<16xf32>
    %add3A_214 = arith.addf %mul3A_206, %mul3A_213 : vector<16xf32>
    %mul3A_215 = arith.mulf %add3A_214, %add3A_214 : vector<16xf32>
    %add3A_216 = arith.addf %add3A_200, %mul3A_215 : vector<16xf32>
    %broadcast_in_dim3A_217 = arith.constant 13 : i32
    %broadcast_in_dim3A_218 = vector.broadcast %broadcast_in_dim3A_217 : i32 to vector<16xi32>
    %gather3A_219 = tpu.vector_load_idx %arg8[%add3A_9, %broadcast_in_dim3A_218] : memref<32x16xf32, #tpu.memory_space<vmem>>[vector<16xi32>, vector<16xi32>], vector<16xf32>,
    %mul3A_220 = arith.constant 5.000000e-01 : f32
    %mul3A_221 = vector.broadcast %mul3A_220 : f32 to vector<16xf32>
    %mul3A_222 = arith.mulf %gather3A_219, %mul3A_221 : vector<16xf32>
    %get3A_223 = arith.constant 13 : i32
    %get3A_224 = arith.index_cast %get3A_223 : i32 to index
    %get3A_225 = arith.constant 0 : index
    %get3A_226 = tpu.vector_load %arg7[%get3A_224, %get3A_225] {strides = array<i32>} : memref<16x32xf32, #tpu.memory_space<vmem>>, vector<16xf32>,
    %mul3A_227 = arith.constant 5.000000e-01 : f32
    %mul3A_228 = vector.broadcast %mul3A_227 : f32 to vector<16xf32>
    %mul3A_229 = arith.mulf %get3A_226, %mul3A_228 : vector<16xf32>
    %add3A_230 = arith.addf %mul3A_222, %mul3A_229 : vector<16xf32>
    %mul3A_231 = arith.mulf %add3A_230, %add3A_230 : vector<16xf32>
    %add3A_232 = arith.addf %add3A_216, %mul3A_231 : vector<16xf32>
    %broadcast_in_dim3A_233 = arith.constant 14 : i32
    %broadcast_in_dim3A_234 = vector.broadcast %broadcast_in_dim3A_233 : i32 to vector<16xi32>
    %gather3A_235 = tpu.vector_load_idx %arg8[%add3A_9, %broadcast_in_dim3A_234] : memref<32x16xf32, #tpu.memory_space<vmem>>[vector<16xi32>, vector<16xi32>], vector<16xf32>,
    %mul3A_236 = arith.constant 5.000000e-01 : f32
    %mul3A_237 = vector.broadcast %mul3A_236 : f32 to vector<16xf32>
    %mul3A_238 = arith.mulf %gather3A_235, %mul3A_237 : vector<16xf32>
    %get3A_239 = arith.constant 14 : i32
    %get3A_240 = arith.index_cast %get3A_239 : i32 to index
    %get3A_241 = arith.constant 0 : index
    %get3A_242 = tpu.vector_load %arg7[%get3A_240, %get3A_241] {strides = array<i32>} : memref<16x32xf32, #tpu.memory_space<vmem>>, vector<16xf32>,
    %mul3A_243 = arith.constant 5.000000e-01 : f32
    %mul3A_244 = vector.broadcast %mul3A_243 : f32 to vector<16xf32>
    %mul3A_245 = arith.mulf %get3A_242, %mul3A_244 : vector<16xf32>
    %add3A_246 = arith.addf %mul3A_238, %mul3A_245 : vector<16xf32>
    %mul3A_247 = arith.mulf %add3A_246, %add3A_246 : vector<16xf32>
    %add3A_248 = arith.addf %add3A_232, %mul3A_247 : vector<16xf32>
    %broadcast_in_dim3A_249 = arith.constant 15 : i32
    %broadcast_in_dim3A_250 = vector.broadcast %broadcast_in_dim3A_249 : i32 to vector<16xi32>
    %gather3A_251 = tpu.vector_load_idx %arg8[%add3A_9, %broadcast_in_dim3A_250] : memref<32x16xf32, #tpu.memory_space<vmem>>[vector<16xi32>, vector<16xi32>], vector<16xf32>,
    %mul3A_252 = arith.constant 5.000000e-01 : f32
    %mul3A_253 = vector.broadcast %mul3A_252 : f32 to vector<16xf32>
    %mul3A_254 = arith.mulf %gather3A_251, %mul3A_253 : vector<16xf32>
    %get3A_255 = arith.constant 15 : i32
    %get3A_256 = arith.index_cast %get3A_255 : i32 to index
    %get3A_257 = arith.constant 0 : index
    %get3A_258 = tpu.vector_load %arg7[%get3A_256, %get3A_257] {strides = array<i32>} : memref<16x32xf32, #tpu.memory_space<vmem>>, vector<16xf32>,
    %mul3A_259 = arith.constant 5.000000e-01 : f32
    %mul3A_260 = vector.broadcast %mul3A_259 : f32 to vector<16xf32>
    %mul3A_261 = arith.mulf %get3A_258, %mul3A_260 : vector<16xf32>
    %add3A_262 = arith.addf %mul3A_254, %mul3A_261 : vector<16xf32>
    %mul3A_263 = arith.mulf %add3A_262, %add3A_262 : vector<16xf32>
    %add3A_264 = arith.addf %add3A_248, %mul3A_263 : vector<16xf32>
    %bitcast_convert_type3A = tpu.bitcast %add3A_264 : vector<16xf32> -> vector<16xi32>
    %shift_right_logical3A = arith.constant 1 : i32
    %shift_right_logical3A_265 = vector.broadcast %shift_right_logical3A : i32 to vector<16xi32>
    %shift_right_logical3A_266 = arith.shrui %bitcast_convert_type3A, %shift_right_logical3A_265 : vector<16xi32>
    %sub3A = arith.constant 1597463007 : i32
    %sub3A_267 = vector.broadcast %sub3A : i32 to vector<16xi32>
    %sub3A_268 = arith.subi %sub3A_267, %shift_right_logical3A_266 : vector<16xi32>
    %bitcast_convert_type3A_269 = tpu.bitcast %sub3A_268 : vector<16xi32> -> vector<16xf32>
    %mul3A_270 = arith.constant 5.000000e-01 : f32
    %mul3A_271 = vector.broadcast %mul3A_270 : f32 to vector<16xf32>
    %mul3A_272 = arith.mulf %mul3A_271, %add3A_264 : vector<16xf32>
    %mul3A_273 = arith.mulf %mul3A_272, %bitcast_convert_type3A_269 : vector<16xf32>
    %mul3A_274 = arith.mulf %mul3A_273, %bitcast_convert_type3A_269 : vector<16xf32>
    %sub3A_275 = arith.constant 1.500000e+00 : f32
    %sub3A_276 = vector.broadcast %sub3A_275 : f32 to vector<16xf32>
    %sub3A_277 = arith.subf %sub3A_276, %mul3A_274 : vector<16xf32>
    %mul3A_278 = arith.mulf %bitcast_convert_type3A_269, %sub3A_277 : vector<16xf32>
    %mul3A_279 = arith.constant 5.000000e-01 : f32
    %mul3A_280 = vector.broadcast %mul3A_279 : f32 to vector<16xf32>
    %mul3A_281 = arith.mulf %mul3A_280, %add3A_264 : vector<16xf32>
    %mul3A_282 = arith.mulf %mul3A_281, %mul3A_278 : vector<16xf32>
    %mul3A_283 = arith.mulf %mul3A_282, %mul3A_278 : vector<16xf32>
    %sub3A_284 = arith.constant 1.500000e+00 : f32
    %sub3A_285 = vector.broadcast %sub3A_284 : f32 to vector<16xf32>
    %sub3A_286 = arith.subf %sub3A_285, %mul3A_283 : vector<16xf32>
    %mul3A_287 = arith.mulf %mul3A_278, %sub3A_286 : vector<16xf32>
    %mul3A_288 = arith.constant 5.000000e-01 : f32
    %mul3A_289 = vector.broadcast %mul3A_288 : f32 to vector<16xf32>
    %mul3A_290 = arith.mulf %mul3A_289, %add3A_264 : vector<16xf32>
    %mul3A_291 = arith.mulf %mul3A_290, %mul3A_287 : vector<16xf32>
    %mul3A_292 = arith.mulf %mul3A_291, %mul3A_287 : vector<16xf32>
    %sub3A_293 = arith.constant 1.500000e+00 : f32
    %sub3A_294 = vector.broadcast %sub3A_293 : f32 to vector<16xf32>
    %sub3A_295 = arith.subf %sub3A_294, %mul3A_292 : vector<16xf32>
    %mul3A_296 = arith.mulf %mul3A_287, %sub3A_295 : vector<16xf32>
    %broadcast_in_dim3A_297 = arith.constant 0 : i32
    %broadcast_in_dim3A_298 = vector.broadcast %broadcast_in_dim3A_297 : i32 to vector<16xi32>
    %mul3A_299 = arith.mulf %add3A_22, %mul3A_296 : vector<16xf32>
    tpu.vector_store_idx %arg9[%add3A_9, %broadcast_in_dim3A_298], %mul3A_299 : memref<32x16xf32, #tpu.memory_space<vmem>>[vector<16xi32>, vector<16xi32>], vector<16xf32>,
    %broadcast_in_dim3A_300 = arith.constant 1 : i32
    %broadcast_in_dim3A_301 = vector.broadcast %broadcast_in_dim3A_300 : i32 to vector<16xi32>
    %mul3A_302 = arith.mulf %add3A_38, %mul3A_296 : vector<16xf32>
    tpu.vector_store_idx %arg9[%add3A_9, %broadcast_in_dim3A_301], %mul3A_302 : memref<32x16xf32, #tpu.memory_space<vmem>>[vector<16xi32>, vector<16xi32>], vector<16xf32>,
    %broadcast_in_dim3A_303 = arith.constant 2 : i32
    %broadcast_in_dim3A_304 = vector.broadcast %broadcast_in_dim3A_303 : i32 to vector<16xi32>
    %mul3A_305 = arith.mulf %add3A_54, %mul3A_296 : vector<16xf32>
    tpu.vector_store_idx %arg9[%add3A_9, %broadcast_in_dim3A_304], %mul3A_305 : memref<32x16xf32, #tpu.memory_space<vmem>>[vector<16xi32>, vector<16xi32>], vector<16xf32>,
    %broadcast_in_dim3A_306 = arith.constant 3 : i32
    %broadcast_in_dim3A_307 = vector.broadcast %broadcast_in_dim3A_306 : i32 to vector<16xi32>
    %mul3A_308 = arith.mulf %add3A_70, %mul3A_296 : vector<16xf32>
    tpu.vector_store_idx %arg9[%add3A_9, %broadcast_in_dim3A_307], %mul3A_308 : memref<32x16xf32, #tpu.memory_space<vmem>>[vector<16xi32>, vector<16xi32>], vector<16xf32>,
    %broadcast_in_dim3A_309 = arith.constant 4 : i32
    %broadcast_in_dim3A_310 = vector.broadcast %broadcast_in_dim3A_309 : i32 to vector<16xi32>
    %mul3A_311 = arith.mulf %add3A_86, %mul3A_296 : vector<16xf32>
    tpu.vector_store_idx %arg9[%add3A_9, %broadcast_in_dim3A_310], %mul3A_311 : memref<32x16xf32, #tpu.memory_space<vmem>>[vector<16xi32>, vector<16xi32>], vector<16xf32>,
    %broadcast_in_dim3A_312 = arith.constant 5 : i32
    %broadcast_in_dim3A_313 = vector.broadcast %broadcast_in_dim3A_312 : i32 to vector<16xi32>
    %mul3A_314 = arith.mulf %add3A_102, %mul3A_296 : vector<16xf32>
    tpu.vector_store_idx %arg9[%add3A_9, %broadcast_in_dim3A_313], %mul3A_314 : memref<32x16xf32, #tpu.memory_space<vmem>>[vector<16xi32>, vector<16xi32>], vector<16xf32>,
    %broadcast_in_dim3A_315 = arith.constant 6 : i32
    %broadcast_in_dim3A_316 = vector.broadcast %broadcast_in_dim3A_315 : i32 to vector<16xi32>
    %mul3A_317 = arith.mulf %add3A_118, %mul3A_296 : vector<16xf32>
    tpu.vector_store_idx %arg9[%add3A_9, %broadcast_in_dim3A_316], %mul3A_317 : memref<32x16xf32, #tpu.memory_space<vmem>>[vector<16xi32>, vector<16xi32>], vector<16xf32>,
    %broadcast_in_dim3A_318 = arith.constant 7 : i32
    %broadcast_in_dim3A_319 = vector.broadcast %broadcast_in_dim3A_318 : i32 to vector<16xi32>
    %mul3A_320 = arith.mulf %add3A_134, %mul3A_296 : vector<16xf32>
    tpu.vector_store_idx %arg9[%add3A_9, %broadcast_in_dim3A_319], %mul3A_320 : memref<32x16xf32, #tpu.memory_space<vmem>>[vector<16xi32>, vector<16xi32>], vector<16xf32>,
    %broadcast_in_dim3A_321 = arith.constant 8 : i32
    %broadcast_in_dim3A_322 = vector.broadcast %broadcast_in_dim3A_321 : i32 to vector<16xi32>
    %mul3A_323 = arith.mulf %add3A_150, %mul3A_296 : vector<16xf32>
    tpu.vector_store_idx %arg9[%add3A_9, %broadcast_in_dim3A_322], %mul3A_323 : memref<32x16xf32, #tpu.memory_space<vmem>>[vector<16xi32>, vector<16xi32>], vector<16xf32>,
    %broadcast_in_dim3A_324 = arith.constant 9 : i32
    %broadcast_in_dim3A_325 = vector.broadcast %broadcast_in_dim3A_324 : i32 to vector<16xi32>
    %mul3A_326 = arith.mulf %add3A_166, %mul3A_296 : vector<16xf32>
    tpu.vector_store_idx %arg9[%add3A_9, %broadcast_in_dim3A_325], %mul3A_326 : memref<32x16xf32, #tpu.memory_space<vmem>>[vector<16xi32>, vector<16xi32>], vector<16xf32>,
    %broadcast_in_dim3A_327 = arith.constant 10 : i32
    %broadcast_in_dim3A_328 = vector.broadcast %broadcast_in_dim3A_327 : i32 to vector<16xi32>
    %mul3A_329 = arith.mulf %add3A_182, %mul3A_296 : vector<16xf32>
    tpu.vector_store_idx %arg9[%add3A_9, %broadcast_in_dim3A_328], %mul3A_329 : memref<32x16xf32, #tpu.memory_space<vmem>>[vector<16xi32>, vector<16xi32>], vector<16xf32>,
    %broadcast_in_dim3A_330 = arith.constant 11 : i32
    %broadcast_in_dim3A_331 = vector.broadcast %broadcast_in_dim3A_330 : i32 to vector<16xi32>
    %mul3A_332 = arith.mulf %add3A_198, %mul3A_296 : vector<16xf32>
    tpu.vector_store_idx %arg9[%add3A_9, %broadcast_in_dim3A_331], %mul3A_332 : memref<32x16xf32, #tpu.memory_space<vmem>>[vector<16xi32>, vector<16xi32>], vector<16xf32>,
    %broadcast_in_dim3A_333 = arith.constant 12 : i32
    %broadcast_in_dim3A_334 = vector.broadcast %broadcast_in_dim3A_333 : i32 to vector<16xi32>
    %mul3A_335 = arith.mulf %add3A_214, %mul3A_296 : vector<16xf32>
    tpu.vector_store_idx %arg9[%add3A_9, %broadcast_in_dim3A_334], %mul3A_335 : memref<32x16xf32, #tpu.memory_space<vmem>>[vector<16xi32>, vector<16xi32>], vector<16xf32>,
    %broadcast_in_dim3A_336 = arith.constant 13 : i32
    %broadcast_in_dim3A_337 = vector.broadcast %broadcast_in_dim3A_336 : i32 to vector<16xi32>
    %mul3A_338 = arith.mulf %add3A_230, %mul3A_296 : vector<16xf32>
    tpu.vector_store_idx %arg9[%add3A_9, %broadcast_in_dim3A_337], %mul3A_338 : memref<32x16xf32, #tpu.memory_space<vmem>>[vector<16xi32>, vector<16xi32>], vector<16xf32>,
    %broadcast_in_dim3A_339 = arith.constant 14 : i32
    %broadcast_in_dim3A_340 = vector.broadcast %broadcast_in_dim3A_339 : i32 to vector<16xi32>
    %mul3A_341 = arith.mulf %add3A_246, %mul3A_296 : vector<16xf32>
    tpu.vector_store_idx %arg9[%add3A_9, %broadcast_in_dim3A_340], %mul3A_341 : memref<32x16xf32, #tpu.memory_space<vmem>>[vector<16xi32>, vector<16xi32>], vector<16xf32>,
    %broadcast_in_dim3A_342 = arith.constant 15 : i32
    %broadcast_in_dim3A_343 = vector.broadcast %broadcast_in_dim3A_342 : i32 to vector<16xi32>
    %mul3A_344 = arith.mulf %add3A_262, %mul3A_296 : vector<16xf32>
    tpu.vector_store_idx %arg9[%add3A_9, %broadcast_in_dim3A_343], %mul3A_344 : memref<32x16xf32, #tpu.memory_space<vmem>>[vector<16xi32>, vector<16xi32>], vector<16xf32>,
    %iota3A_345 = tpu.iota {dimensions = array<i32: 0>} : vector<16xi32>
    %add3A_346 = arith.constant 16 : i32
    %add3A_347 = vector.broadcast %add3A_346 : i32 to vector<16xi32>
    %add3A_348 = arith.addi %iota3A_345, %add3A_347 : vector<16xi32>
    %broadcast_in_dim3A_349 = arith.constant 0.000000e+00 : f32
    %broadcast_in_dim3A_350 = vector.broadcast %broadcast_in_dim3A_349 : f32 to vector<16xf32>
    %broadcast_in_dim3A_351 = arith.constant 0 : i32
    %broadcast_in_dim3A_352 = vector.broadcast %broadcast_in_dim3A_351 : i32 to vector<16xi32>
    %gather3A_353 = tpu.vector_load_idx %arg8[%add3A_348, %broadcast_in_dim3A_352] : memref<32x16xf32, #tpu.memory_space<vmem>>[vector<16xi32>, vector<16xi32>], vector<16xf32>,
    %mul3A_354 = arith.constant 5.000000e-01 : f32
    %mul3A_355 = vector.broadcast %mul3A_354 : f32 to vector<16xf32>
    %mul3A_356 = arith.mulf %gather3A_353, %mul3A_355 : vector<16xf32>
    %get3A_357 = arith.constant 0 : i32
    %get3A_358 = arith.index_cast %get3A_357 : i32 to index
    %get3A_359 = arith.constant 16 : index
    %get3A_360 = tpu.vector_load %arg7[%get3A_358, %get3A_359] {strides = array<i32>} : memref<16x32xf32, #tpu.memory_space<vmem>>, vector<16xf32>,
    %mul3A_361 = arith.constant 5.000000e-01 : f32
    %mul3A_362 = vector.broadcast %mul3A_361 : f32 to vector<16xf32>
    %mul3A_363 = arith.mulf %get3A_360, %mul3A_362 : vector<16xf32>
    %add3A_364 = arith.addf %mul3A_356, %mul3A_363 : vector<16xf32>
    %mul3A_365 = arith.mulf %add3A_364, %add3A_364 : vector<16xf32>
    %add3A_366 = arith.addf %broadcast_in_dim3A_350, %mul3A_365 : vector<16xf32>
    %broadcast_in_dim3A_367 = arith.constant 1 : i32
    %broadcast_in_dim3A_368 = vector.broadcast %broadcast_in_dim3A_367 : i32 to vector<16xi32>
    %gather3A_369 = tpu.vector_load_idx %arg8[%add3A_348, %broadcast_in_dim3A_368] : memref<32x16xf32, #tpu.memory_space<vmem>>[vector<16xi32>, vector<16xi32>], vector<16xf32>,
    %mul3A_370 = arith.constant 5.000000e-01 : f32
    %mul3A_371 = vector.broadcast %mul3A_370 : f32 to vector<16xf32>
    %mul3A_372 = arith.mulf %gather3A_369, %mul3A_371 : vector<16xf32>
    %get3A_373 = arith.constant 1 : i32
    %get3A_374 = arith.index_cast %get3A_373 : i32 to index
    %get3A_375 = arith.constant 16 : index
    %get3A_376 = tpu.vector_load %arg7[%get3A_374, %get3A_375] {strides = array<i32>} : memref<16x32xf32, #tpu.memory_space<vmem>>, vector<16xf32>,
    %mul3A_377 = arith.constant 5.000000e-01 : f32
    %mul3A_378 = vector.broadcast %mul3A_377 : f32 to vector<16xf32>
    %mul3A_379 = arith.mulf %get3A_376, %mul3A_378 : vector<16xf32>
    %add3A_380 = arith.addf %mul3A_372, %mul3A_379 : vector<16xf32>
    %mul3A_381 = arith.mulf %add3A_380, %add3A_380 : vector<16xf32>
    %add3A_382 = arith.addf %add3A_366, %mul3A_381 : vector<16xf32>
    %broadcast_in_dim3A_383 = arith.constant 2 : i32
    %broadcast_in_dim3A_384 = vector.broadcast %broadcast_in_dim3A_383 : i32 to vector<16xi32>
    %gather3A_385 = tpu.vector_load_idx %arg8[%add3A_348, %broadcast_in_dim3A_384] : memref<32x16xf32, #tpu.memory_space<vmem>>[vector<16xi32>, vector<16xi32>], vector<16xf32>,
    %mul3A_386 = arith.constant 5.000000e-01 : f32
    %mul3A_387 = vector.broadcast %mul3A_386 : f32 to vector<16xf32>
    %mul3A_388 = arith.mulf %gather3A_385, %mul3A_387 : vector<16xf32>
    %get3A_389 = arith.constant 2 : i32
    %get3A_390 = arith.index_cast %get3A_389 : i32 to index
    %get3A_391 = arith.constant 16 : index
    %get3A_392 = tpu.vector_load %arg7[%get3A_390, %get3A_391] {strides = array<i32>} : memref<16x32xf32, #tpu.memory_space<vmem>>, vector<16xf32>,
    %mul3A_393 = arith.constant 5.000000e-01 : f32
    %mul3A_394 = vector.broadcast %mul3A_393 : f32 to vector<16xf32>
    %mul3A_395 = arith.mulf %get3A_392, %mul3A_394 : vector<16xf32>
    %add3A_396 = arith.addf %mul3A_388, %mul3A_395 : vector<16xf32>
    %mul3A_397 = arith.mulf %add3A_396, %add3A_396 : vector<16xf32>
    %add3A_398 = arith.addf %add3A_382, %mul3A_397 : vector<16xf32>
    %broadcast_in_dim3A_399 = arith.constant 3 : i32
    %broadcast_in_dim3A_400 = vector.broadcast %broadcast_in_dim3A_399 : i32 to vector<16xi32>
    %gather3A_401 = tpu.vector_load_idx %arg8[%add3A_348, %broadcast_in_dim3A_400] : memref<32x16xf32, #tpu.memory_space<vmem>>[vector<16xi32>, vector<16xi32>], vector<16xf32>,
    %mul3A_402 = arith.constant 5.000000e-01 : f32
    %mul3A_403 = vector.broadcast %mul3A_402 : f32 to vector<16xf32>
    %mul3A_404 = arith.mulf %gather3A_401, %mul3A_403 : vector<16xf32>
    %get3A_405 = arith.constant 3 : i32
    %get3A_406 = arith.index_cast %get3A_405 : i32 to index
    %get3A_407 = arith.constant 16 : index
    %get3A_408 = tpu.vector_load %arg7[%get3A_406, %get3A_407] {strides = array<i32>} : memref<16x32xf32, #tpu.memory_space<vmem>>, vector<16xf32>,
    %mul3A_409 = arith.constant 5.000000e-01 : f32
    %mul3A_410 = vector.broadcast %mul3A_409 : f32 to vector<16xf32>
    %mul3A_411 = arith.mulf %get3A_408, %mul3A_410 : vector<16xf32>
    %add3A_412 = arith.addf %mul3A_404, %mul3A_411 : vector<16xf32>
    %mul3A_413 = arith.mulf %add3A_412, %add3A_412 : vector<16xf32>
    %add3A_414 = arith.addf %add3A_398, %mul3A_413 : vector<16xf32>
    %broadcast_in_dim3A_415 = arith.constant 4 : i32
    %broadcast_in_dim3A_416 = vector.broadcast %broadcast_in_dim3A_415 : i32 to vector<16xi32>
    %gather3A_417 = tpu.vector_load_idx %arg8[%add3A_348, %broadcast_in_dim3A_416] : memref<32x16xf32, #tpu.memory_space<vmem>>[vector<16xi32>, vector<16xi32>], vector<16xf32>,
    %mul3A_418 = arith.constant 5.000000e-01 : f32
    %mul3A_419 = vector.broadcast %mul3A_418 : f32 to vector<16xf32>
    %mul3A_420 = arith.mulf %gather3A_417, %mul3A_419 : vector<16xf32>
    %get3A_421 = arith.constant 4 : i32
    %get3A_422 = arith.index_cast %get3A_421 : i32 to index
    %get3A_423 = arith.constant 16 : index
    %get3A_424 = tpu.vector_load %arg7[%get3A_422, %get3A_423] {strides = array<i32>} : memref<16x32xf32, #tpu.memory_space<vmem>>, vector<16xf32>,
    %mul3A_425 = arith.constant 5.000000e-01 : f32
    %mul3A_426 = vector.broadcast %mul3A_425 : f32 to vector<16xf32>
    %mul3A_427 = arith.mulf %get3A_424, %mul3A_426 : vector<16xf32>
    %add3A_428 = arith.addf %mul3A_420, %mul3A_427 : vector<16xf32>
    %mul3A_429 = arith.mulf %add3A_428, %add3A_428 : vector<16xf32>
    %add3A_430 = arith.addf %add3A_414, %mul3A_429 : vector<16xf32>
    %broadcast_in_dim3A_431 = arith.constant 5 : i32
    %broadcast_in_dim3A_432 = vector.broadcast %broadcast_in_dim3A_431 : i32 to vector<16xi32>
    %gather3A_433 = tpu.vector_load_idx %arg8[%add3A_348, %broadcast_in_dim3A_432] : memref<32x16xf32, #tpu.memory_space<vmem>>[vector<16xi32>, vector<16xi32>], vector<16xf32>,
    %mul3A_434 = arith.constant 5.000000e-01 : f32
    %mul3A_435 = vector.broadcast %mul3A_434 : f32 to vector<16xf32>
    %mul3A_436 = arith.mulf %gather3A_433, %mul3A_435 : vector<16xf32>
    %get3A_437 = arith.constant 5 : i32
    %get3A_438 = arith.index_cast %get3A_437 : i32 to index
    %get3A_439 = arith.constant 16 : index
    %get3A_440 = tpu.vector_load %arg7[%get3A_438, %get3A_439] {strides = array<i32>} : memref<16x32xf32, #tpu.memory_space<vmem>>, vector<16xf32>,
    %mul3A_441 = arith.constant 5.000000e-01 : f32
    %mul3A_442 = vector.broadcast %mul3A_441 : f32 to vector<16xf32>
    %mul3A_443 = arith.mulf %get3A_440, %mul3A_442 : vector<16xf32>
    %add3A_444 = arith.addf %mul3A_436, %mul3A_443 : vector<16xf32>
    %mul3A_445 = arith.mulf %add3A_444, %add3A_444 : vector<16xf32>
    %add3A_446 = arith.addf %add3A_430, %mul3A_445 : vector<16xf32>
    %broadcast_in_dim3A_447 = arith.constant 6 : i32
    %broadcast_in_dim3A_448 = vector.broadcast %broadcast_in_dim3A_447 : i32 to vector<16xi32>
    %gather3A_449 = tpu.vector_load_idx %arg8[%add3A_348, %broadcast_in_dim3A_448] : memref<32x16xf32, #tpu.memory_space<vmem>>[vector<16xi32>, vector<16xi32>], vector<16xf32>,
    %mul3A_450 = arith.constant 5.000000e-01 : f32
    %mul3A_451 = vector.broadcast %mul3A_450 : f32 to vector<16xf32>
    %mul3A_452 = arith.mulf %gather3A_449, %mul3A_451 : vector<16xf32>
    %get3A_453 = arith.constant 6 : i32
    %get3A_454 = arith.index_cast %get3A_453 : i32 to index
    %get3A_455 = arith.constant 16 : index
    %get3A_456 = tpu.vector_load %arg7[%get3A_454, %get3A_455] {strides = array<i32>} : memref<16x32xf32, #tpu.memory_space<vmem>>, vector<16xf32>,
    %mul3A_457 = arith.constant 5.000000e-01 : f32
    %mul3A_458 = vector.broadcast %mul3A_457 : f32 to vector<16xf32>
    %mul3A_459 = arith.mulf %get3A_456, %mul3A_458 : vector<16xf32>
    %add3A_460 = arith.addf %mul3A_452, %mul3A_459 : vector<16xf32>
    %mul3A_461 = arith.mulf %add3A_460, %add3A_460 : vector<16xf32>
    %add3A_462 = arith.addf %add3A_446, %mul3A_461 : vector<16xf32>
    %broadcast_in_dim3A_463 = arith.constant 7 : i32
    %broadcast_in_dim3A_464 = vector.broadcast %broadcast_in_dim3A_463 : i32 to vector<16xi32>
    %gather3A_465 = tpu.vector_load_idx %arg8[%add3A_348, %broadcast_in_dim3A_464] : memref<32x16xf32, #tpu.memory_space<vmem>>[vector<16xi32>, vector<16xi32>], vector<16xf32>,
    %mul3A_466 = arith.constant 5.000000e-01 : f32
    %mul3A_467 = vector.broadcast %mul3A_466 : f32 to vector<16xf32>
    %mul3A_468 = arith.mulf %gather3A_465, %mul3A_467 : vector<16xf32>
    %get3A_469 = arith.constant 7 : i32
    %get3A_470 = arith.index_cast %get3A_469 : i32 to index
    %get3A_471 = arith.constant 16 : index
    %get3A_472 = tpu.vector_load %arg7[%get3A_470, %get3A_471] {strides = array<i32>} : memref<16x32xf32, #tpu.memory_space<vmem>>, vector<16xf32>,
    %mul3A_473 = arith.constant 5.000000e-01 : f32
    %mul3A_474 = vector.broadcast %mul3A_473 : f32 to vector<16xf32>
    %mul3A_475 = arith.mulf %get3A_472, %mul3A_474 : vector<16xf32>
    %add3A_476 = arith.addf %mul3A_468, %mul3A_475 : vector<16xf32>
    %mul3A_477 = arith.mulf %add3A_476, %add3A_476 : vector<16xf32>
    %add3A_478 = arith.addf %add3A_462, %mul3A_477 : vector<16xf32>
    %broadcast_in_dim3A_479 = arith.constant 8 : i32
    %broadcast_in_dim3A_480 = vector.broadcast %broadcast_in_dim3A_479 : i32 to vector<16xi32>
    %gather3A_481 = tpu.vector_load_idx %arg8[%add3A_348, %broadcast_in_dim3A_480] : memref<32x16xf32, #tpu.memory_space<vmem>>[vector<16xi32>, vector<16xi32>], vector<16xf32>,
    %mul3A_482 = arith.constant 5.000000e-01 : f32
    %mul3A_483 = vector.broadcast %mul3A_482 : f32 to vector<16xf32>
    %mul3A_484 = arith.mulf %gather3A_481, %mul3A_483 : vector<16xf32>
    %get3A_485 = arith.constant 8 : i32
    %get3A_486 = arith.index_cast %get3A_485 : i32 to index
    %get3A_487 = arith.constant 16 : index
    %get3A_488 = tpu.vector_load %arg7[%get3A_486, %get3A_487] {strides = array<i32>} : memref<16x32xf32, #tpu.memory_space<vmem>>, vector<16xf32>,
    %mul3A_489 = arith.constant 5.000000e-01 : f32
    %mul3A_490 = vector.broadcast %mul3A_489 : f32 to vector<16xf32>
    %mul3A_491 = arith.mulf %get3A_488, %mul3A_490 : vector<16xf32>
    %add3A_492 = arith.addf %mul3A_484, %mul3A_491 : vector<16xf32>
    %mul3A_493 = arith.mulf %add3A_492, %add3A_492 : vector<16xf32>
    %add3A_494 = arith.addf %add3A_478, %mul3A_493 : vector<16xf32>
    %broadcast_in_dim3A_495 = arith.constant 9 : i32
    %broadcast_in_dim3A_496 = vector.broadcast %broadcast_in_dim3A_495 : i32 to vector<16xi32>
    %gather3A_497 = tpu.vector_load_idx %arg8[%add3A_348, %broadcast_in_dim3A_496] : memref<32x16xf32, #tpu.memory_space<vmem>>[vector<16xi32>, vector<16xi32>], vector<16xf32>,
    %mul3A_498 = arith.constant 5.000000e-01 : f32
    %mul3A_499 = vector.broadcast %mul3A_498 : f32 to vector<16xf32>
    %mul3A_500 = arith.mulf %gather3A_497, %mul3A_499 : vector<16xf32>
    %get3A_501 = arith.constant 9 : i32
    %get3A_502 = arith.index_cast %get3A_501 : i32 to index
    %get3A_503 = arith.constant 16 : index
    %get3A_504 = tpu.vector_load %arg7[%get3A_502, %get3A_503] {strides = array<i32>} : memref<16x32xf32, #tpu.memory_space<vmem>>, vector<16xf32>,
    %mul3A_505 = arith.constant 5.000000e-01 : f32
    %mul3A_506 = vector.broadcast %mul3A_505 : f32 to vector<16xf32>
    %mul3A_507 = arith.mulf %get3A_504, %mul3A_506 : vector<16xf32>
    %add3A_508 = arith.addf %mul3A_500, %mul3A_507 : vector<16xf32>
    %mul3A_509 = arith.mulf %add3A_508, %add3A_508 : vector<16xf32>
    %add3A_510 = arith.addf %add3A_494, %mul3A_509 : vector<16xf32>
    %broadcast_in_dim3A_511 = arith.constant 10 : i32
    %broadcast_in_dim3A_512 = vector.broadcast %broadcast_in_dim3A_511 : i32 to vector<16xi32>
    %gather3A_513 = tpu.vector_load_idx %arg8[%add3A_348, %broadcast_in_dim3A_512] : memref<32x16xf32, #tpu.memory_space<vmem>>[vector<16xi32>, vector<16xi32>], vector<16xf32>,
    %mul3A_514 = arith.constant 5.000000e-01 : f32
    %mul3A_515 = vector.broadcast %mul3A_514 : f32 to vector<16xf32>
    %mul3A_516 = arith.mulf %gather3A_513, %mul3A_515 : vector<16xf32>
    %get3A_517 = arith.constant 10 : i32
    %get3A_518 = arith.index_cast %get3A_517 : i32 to index
    %get3A_519 = arith.constant 16 : index
    %get3A_520 = tpu.vector_load %arg7[%get3A_518, %get3A_519] {strides = array<i32>} : memref<16x32xf32, #tpu.memory_space<vmem>>, vector<16xf32>,
    %mul3A_521 = arith.constant 5.000000e-01 : f32
    %mul3A_522 = vector.broadcast %mul3A_521 : f32 to vector<16xf32>
    %mul3A_523 = arith.mulf %get3A_520, %mul3A_522 : vector<16xf32>
    %add3A_524 = arith.addf %mul3A_516, %mul3A_523 : vector<16xf32>
    %mul3A_525 = arith.mulf %add3A_524, %add3A_524 : vector<16xf32>
    %add3A_526 = arith.addf %add3A_510, %mul3A_525 : vector<16xf32>
    %broadcast_in_dim3A_527 = arith.constant 11 : i32
    %broadcast_in_dim3A_528 = vector.broadcast %broadcast_in_dim3A_527 : i32 to vector<16xi32>
    %gather3A_529 = tpu.vector_load_idx %arg8[%add3A_348, %broadcast_in_dim3A_528] : memref<32x16xf32, #tpu.memory_space<vmem>>[vector<16xi32>, vector<16xi32>], vector<16xf32>,
    %mul3A_530 = arith.constant 5.000000e-01 : f32
    %mul3A_531 = vector.broadcast %mul3A_530 : f32 to vector<16xf32>
    %mul3A_532 = arith.mulf %gather3A_529, %mul3A_531 : vector<16xf32>
    %get3A_533 = arith.constant 11 : i32
    %get3A_534 = arith.index_cast %get3A_533 : i32 to index
    %get3A_535 = arith.constant 16 : index
    %get3A_536 = tpu.vector_load %arg7[%get3A_534, %get3A_535] {strides = array<i32>} : memref<16x32xf32, #tpu.memory_space<vmem>>, vector<16xf32>,
    %mul3A_537 = arith.constant 5.000000e-01 : f32
    %mul3A_538 = vector.broadcast %mul3A_537 : f32 to vector<16xf32>
    %mul3A_539 = arith.mulf %get3A_536, %mul3A_538 : vector<16xf32>
    %add3A_540 = arith.addf %mul3A_532, %mul3A_539 : vector<16xf32>
    %mul3A_541 = arith.mulf %add3A_540, %add3A_540 : vector<16xf32>
    %add3A_542 = arith.addf %add3A_526, %mul3A_541 : vector<16xf32>
    %broadcast_in_dim3A_543 = arith.constant 12 : i32
    %broadcast_in_dim3A_544 = vector.broadcast %broadcast_in_dim3A_543 : i32 to vector<16xi32>
    %gather3A_545 = tpu.vector_load_idx %arg8[%add3A_348, %broadcast_in_dim3A_544] : memref<32x16xf32, #tpu.memory_space<vmem>>[vector<16xi32>, vector<16xi32>], vector<16xf32>,
    %mul3A_546 = arith.constant 5.000000e-01 : f32
    %mul3A_547 = vector.broadcast %mul3A_546 : f32 to vector<16xf32>
    %mul3A_548 = arith.mulf %gather3A_545, %mul3A_547 : vector<16xf32>
    %get3A_549 = arith.constant 12 : i32
    %get3A_550 = arith.index_cast %get3A_549 : i32 to index
    %get3A_551 = arith.constant 16 : index
    %get3A_552 = tpu.vector_load %arg7[%get3A_550, %get3A_551] {strides = array<i32>} : memref<16x32xf32, #tpu.memory_space<vmem>>, vector<16xf32>,
    %mul3A_553 = arith.constant 5.000000e-01 : f32
    %mul3A_554 = vector.broadcast %mul3A_553 : f32 to vector<16xf32>
    %mul3A_555 = arith.mulf %get3A_552, %mul3A_554 : vector<16xf32>
    %add3A_556 = arith.addf %mul3A_548, %mul3A_555 : vector<16xf32>
    %mul3A_557 = arith.mulf %add3A_556, %add3A_556 : vector<16xf32>
    %add3A_558 = arith.addf %add3A_542, %mul3A_557 : vector<16xf32>
    %broadcast_in_dim3A_559 = arith.constant 13 : i32
    %broadcast_in_dim3A_560 = vector.broadcast %broadcast_in_dim3A_559 : i32 to vector<16xi32>
    %gather3A_561 = tpu.vector_load_idx %arg8[%add3A_348, %broadcast_in_dim3A_560] : memref<32x16xf32, #tpu.memory_space<vmem>>[vector<16xi32>, vector<16xi32>], vector<16xf32>,
    %mul3A_562 = arith.constant 5.000000e-01 : f32
    %mul3A_563 = vector.broadcast %mul3A_562 : f32 to vector<16xf32>
    %mul3A_564 = arith.mulf %gather3A_561, %mul3A_563 : vector<16xf32>
    %get3A_565 = arith.constant 13 : i32
    %get3A_566 = arith.index_cast %get3A_565 : i32 to index
    %get3A_567 = arith.constant 16 : index
    %get3A_568 = tpu.vector_load %arg7[%get3A_566, %get3A_567] {strides = array<i32>} : memref<16x32xf32, #tpu.memory_space<vmem>>, vector<16xf32>,
    %mul3A_569 = arith.constant 5.000000e-01 : f32
    %mul3A_570 = vector.broadcast %mul3A_569 : f32 to vector<16xf32>
    %mul3A_571 = arith.mulf %get3A_568, %mul3A_570 : vector<16xf32>
    %add3A_572 = arith.addf %mul3A_564, %mul3A_571 : vector<16xf32>
    %mul3A_573 = arith.mulf %add3A_572, %add3A_572 : vector<16xf32>
    %add3A_574 = arith.addf %add3A_558, %mul3A_573 : vector<16xf32>
    %broadcast_in_dim3A_575 = arith.constant 14 : i32
    %broadcast_in_dim3A_576 = vector.broadcast %broadcast_in_dim3A_575 : i32 to vector<16xi32>
    %gather3A_577 = tpu.vector_load_idx %arg8[%add3A_348, %broadcast_in_dim3A_576] : memref<32x16xf32, #tpu.memory_space<vmem>>[vector<16xi32>, vector<16xi32>], vector<16xf32>,
    %mul3A_578 = arith.constant 5.000000e-01 : f32
    %mul3A_579 = vector.broadcast %mul3A_578 : f32 to vector<16xf32>
    %mul3A_580 = arith.mulf %gather3A_577, %mul3A_579 : vector<16xf32>
    %get3A_581 = arith.constant 14 : i32
    %get3A_582 = arith.index_cast %get3A_581 : i32 to index
    %get3A_583 = arith.constant 16 : index
    %get3A_584 = tpu.vector_load %arg7[%get3A_582, %get3A_583] {strides = array<i32>} : memref<16x32xf32, #tpu.memory_space<vmem>>, vector<16xf32>,
    %mul3A_585 = arith.constant 5.000000e-01 : f32
    %mul3A_586 = vector.broadcast %mul3A_585 : f32 to vector<16xf32>
    %mul3A_587 = arith.mulf %get3A_584, %mul3A_586 : vector<16xf32>
    %add3A_588 = arith.addf %mul3A_580, %mul3A_587 : vector<16xf32>
    %mul3A_589 = arith.mulf %add3A_588, %add3A_588 : vector<16xf32>
    %add3A_590 = arith.addf %add3A_574, %mul3A_589 : vector<16xf32>
    %broadcast_in_dim3A_591 = arith.constant 15 : i32
    %broadcast_in_dim3A_592 = vector.broadcast %broadcast_in_dim3A_591 : i32 to vector<16xi32>
    %gather3A_593 = tpu.vector_load_idx %arg8[%add3A_348, %broadcast_in_dim3A_592] : memref<32x16xf32, #tpu.memory_space<vmem>>[vector<16xi32>, vector<16xi32>], vector<16xf32>,
    %mul3A_594 = arith.constant 5.000000e-01 : f32
    %mul3A_595 = vector.broadcast %mul3A_594 : f32 to vector<16xf32>
    %mul3A_596 = arith.mulf %gather3A_593, %mul3A_595 : vector<16xf32>
    %get3A_597 = arith.constant 15 : i32
    %get3A_598 = arith.index_cast %get3A_597 : i32 to index
    %get3A_599 = arith.constant 16 : index
    %get3A_600 = tpu.vector_load %arg7[%get3A_598, %get3A_599] {strides = array<i32>} : memref<16x32xf32, #tpu.memory_space<vmem>>, vector<16xf32>,
    %mul3A_601 = arith.constant 5.000000e-01 : f32
    %mul3A_602 = vector.broadcast %mul3A_601 : f32 to vector<16xf32>
    %mul3A_603 = arith.mulf %get3A_600, %mul3A_602 : vector<16xf32>
    %add3A_604 = arith.addf %mul3A_596, %mul3A_603 : vector<16xf32>
    %mul3A_605 = arith.mulf %add3A_604, %add3A_604 : vector<16xf32>
    %add3A_606 = arith.addf %add3A_590, %mul3A_605 : vector<16xf32>
    %bitcast_convert_type3A_607 = tpu.bitcast %add3A_606 : vector<16xf32> -> vector<16xi32>
    %shift_right_logical3A_608 = arith.constant 1 : i32
    %shift_right_logical3A_609 = vector.broadcast %shift_right_logical3A_608 : i32 to vector<16xi32>
    %shift_right_logical3A_610 = arith.shrui %bitcast_convert_type3A_607, %shift_right_logical3A_609 : vector<16xi32>
    %sub3A_611 = arith.constant 1597463007 : i32
    %sub3A_612 = vector.broadcast %sub3A_611 : i32 to vector<16xi32>
    %sub3A_613 = arith.subi %sub3A_612, %shift_right_logical3A_610 : vector<16xi32>
    %bitcast_convert_type3A_614 = tpu.bitcast %sub3A_613 : vector<16xi32> -> vector<16xf32>
    %mul3A_615 = arith.constant 5.000000e-01 : f32
    %mul3A_616 = vector.broadcast %mul3A_615 : f32 to vector<16xf32>
    %mul3A_617 = arith.mulf %mul3A_616, %add3A_606 : vector<16xf32>
    %mul3A_618 = arith.mulf %mul3A_617, %bitcast_convert_type3A_614 : vector<16xf32>
    %mul3A_619 = arith.mulf %mul3A_618, %bitcast_convert_type3A_614 : vector<16xf32>
    %sub3A_620 = arith.constant 1.500000e+00 : f32
    %sub3A_621 = vector.broadcast %sub3A_620 : f32 to vector<16xf32>
    %sub3A_622 = arith.subf %sub3A_621, %mul3A_619 : vector<16xf32>
    %mul3A_623 = arith.mulf %bitcast_convert_type3A_614, %sub3A_622 : vector<16xf32>
    %mul3A_624 = arith.constant 5.000000e-01 : f32
    %mul3A_625 = vector.broadcast %mul3A_624 : f32 to vector<16xf32>
    %mul3A_626 = arith.mulf %mul3A_625, %add3A_606 : vector<16xf32>
    %mul3A_627 = arith.mulf %mul3A_626, %mul3A_623 : vector<16xf32>
    %mul3A_628 = arith.mulf %mul3A_627, %mul3A_623 : vector<16xf32>
    %sub3A_629 = arith.constant 1.500000e+00 : f32
    %sub3A_630 = vector.broadcast %sub3A_629 : f32 to vector<16xf32>
    %sub3A_631 = arith.subf %sub3A_630, %mul3A_628 : vector<16xf32>
    %mul3A_632 = arith.mulf %mul3A_623, %sub3A_631 : vector<16xf32>
    %mul3A_633 = arith.constant 5.000000e-01 : f32
    %mul3A_634 = vector.broadcast %mul3A_633 : f32 to vector<16xf32>
    %mul3A_635 = arith.mulf %mul3A_634, %add3A_606 : vector<16xf32>
    %mul3A_636 = arith.mulf %mul3A_635, %mul3A_632 : vector<16xf32>
    %mul3A_637 = arith.mulf %mul3A_636, %mul3A_632 : vector<16xf32>
    %sub3A_638 = arith.constant 1.500000e+00 : f32
    %sub3A_639 = vector.broadcast %sub3A_638 : f32 to vector<16xf32>
    %sub3A_640 = arith.subf %sub3A_639, %mul3A_637 : vector<16xf32>
    %mul3A_641 = arith.mulf %mul3A_632, %sub3A_640 : vector<16xf32>
    %broadcast_in_dim3A_642 = arith.constant 0 : i32
    %broadcast_in_dim3A_643 = vector.broadcast %broadcast_in_dim3A_642 : i32 to vector<16xi32>
    %mul3A_644 = arith.mulf %add3A_364, %mul3A_641 : vector<16xf32>
    tpu.vector_store_idx %arg9[%add3A_348, %broadcast_in_dim3A_643], %mul3A_644 : memref<32x16xf32, #tpu.memory_space<vmem>>[vector<16xi32>, vector<16xi32>], vector<16xf32>,
    %broadcast_in_dim3A_645 = arith.constant 1 : i32
    %broadcast_in_dim3A_646 = vector.broadcast %broadcast_in_dim3A_645 : i32 to vector<16xi32>
    %mul3A_647 = arith.mulf %add3A_380, %mul3A_641 : vector<16xf32>
    tpu.vector_store_idx %arg9[%add3A_348, %broadcast_in_dim3A_646], %mul3A_647 : memref<32x16xf32, #tpu.memory_space<vmem>>[vector<16xi32>, vector<16xi32>], vector<16xf32>,
    %broadcast_in_dim3A_648 = arith.constant 2 : i32
    %broadcast_in_dim3A_649 = vector.broadcast %broadcast_in_dim3A_648 : i32 to vector<16xi32>
    %mul3A_650 = arith.mulf %add3A_396, %mul3A_641 : vector<16xf32>
    tpu.vector_store_idx %arg9[%add3A_348, %broadcast_in_dim3A_649], %mul3A_650 : memref<32x16xf32, #tpu.memory_space<vmem>>[vector<16xi32>, vector<16xi32>], vector<16xf32>,
    %broadcast_in_dim3A_651 = arith.constant 3 : i32
    %broadcast_in_dim3A_652 = vector.broadcast %broadcast_in_dim3A_651 : i32 to vector<16xi32>
    %mul3A_653 = arith.mulf %add3A_412, %mul3A_641 : vector<16xf32>
    tpu.vector_store_idx %arg9[%add3A_348, %broadcast_in_dim3A_652], %mul3A_653 : memref<32x16xf32, #tpu.memory_space<vmem>>[vector<16xi32>, vector<16xi32>], vector<16xf32>,
    %broadcast_in_dim3A_654 = arith.constant 4 : i32
    %broadcast_in_dim3A_655 = vector.broadcast %broadcast_in_dim3A_654 : i32 to vector<16xi32>
    %mul3A_656 = arith.mulf %add3A_428, %mul3A_641 : vector<16xf32>
    tpu.vector_store_idx %arg9[%add3A_348, %broadcast_in_dim3A_655], %mul3A_656 : memref<32x16xf32, #tpu.memory_space<vmem>>[vector<16xi32>, vector<16xi32>], vector<16xf32>,
    %broadcast_in_dim3A_657 = arith.constant 5 : i32
    %broadcast_in_dim3A_658 = vector.broadcast %broadcast_in_dim3A_657 : i32 to vector<16xi32>
    %mul3A_659 = arith.mulf %add3A_444, %mul3A_641 : vector<16xf32>
    tpu.vector_store_idx %arg9[%add3A_348, %broadcast_in_dim3A_658], %mul3A_659 : memref<32x16xf32, #tpu.memory_space<vmem>>[vector<16xi32>, vector<16xi32>], vector<16xf32>,
    %broadcast_in_dim3A_660 = arith.constant 6 : i32
    %broadcast_in_dim3A_661 = vector.broadcast %broadcast_in_dim3A_660 : i32 to vector<16xi32>
    %mul3A_662 = arith.mulf %add3A_460, %mul3A_641 : vector<16xf32>
    tpu.vector_store_idx %arg9[%add3A_348, %broadcast_in_dim3A_661], %mul3A_662 : memref<32x16xf32, #tpu.memory_space<vmem>>[vector<16xi32>, vector<16xi32>], vector<16xf32>,
    %broadcast_in_dim3A_663 = arith.constant 7 : i32
    %broadcast_in_dim3A_664 = vector.broadcast %broadcast_in_dim3A_663 : i32 to vector<16xi32>
    %mul3A_665 = arith.mulf %add3A_476, %mul3A_641 : vector<16xf32>
    tpu.vector_store_idx %arg9[%add3A_348, %broadcast_in_dim3A_664], %mul3A_665 : memref<32x16xf32, #tpu.memory_space<vmem>>[vector<16xi32>, vector<16xi32>], vector<16xf32>,
    %broadcast_in_dim3A_666 = arith.constant 8 : i32
    %broadcast_in_dim3A_667 = vector.broadcast %broadcast_in_dim3A_666 : i32 to vector<16xi32>
    %mul3A_668 = arith.mulf %add3A_492, %mul3A_641 : vector<16xf32>
    tpu.vector_store_idx %arg9[%add3A_348, %broadcast_in_dim3A_667], %mul3A_668 : memref<32x16xf32, #tpu.memory_space<vmem>>[vector<16xi32>, vector<16xi32>], vector<16xf32>,
    %broadcast_in_dim3A_669 = arith.constant 9 : i32
    %broadcast_in_dim3A_670 = vector.broadcast %broadcast_in_dim3A_669 : i32 to vector<16xi32>
    %mul3A_671 = arith.mulf %add3A_508, %mul3A_641 : vector<16xf32>
    tpu.vector_store_idx %arg9[%add3A_348, %broadcast_in_dim3A_670], %mul3A_671 : memref<32x16xf32, #tpu.memory_space<vmem>>[vector<16xi32>, vector<16xi32>], vector<16xf32>,
    %broadcast_in_dim3A_672 = arith.constant 10 : i32
    %broadcast_in_dim3A_673 = vector.broadcast %broadcast_in_dim3A_672 : i32 to vector<16xi32>
    %mul3A_674 = arith.mulf %add3A_524, %mul3A_641 : vector<16xf32>
    tpu.vector_store_idx %arg9[%add3A_348, %broadcast_in_dim3A_673], %mul3A_674 : memref<32x16xf32, #tpu.memory_space<vmem>>[vector<16xi32>, vector<16xi32>], vector<16xf32>,
    %broadcast_in_dim3A_675 = arith.constant 11 : i32
    %broadcast_in_dim3A_676 = vector.broadcast %broadcast_in_dim3A_675 : i32 to vector<16xi32>
    %mul3A_677 = arith.mulf %add3A_540, %mul3A_641 : vector<16xf32>
    tpu.vector_store_idx %arg9[%add3A_348, %broadcast_in_dim3A_676], %mul3A_677 : memref<32x16xf32, #tpu.memory_space<vmem>>[vector<16xi32>, vector<16xi32>], vector<16xf32>,
    %broadcast_in_dim3A_678 = arith.constant 12 : i32
    %broadcast_in_dim3A_679 = vector.broadcast %broadcast_in_dim3A_678 : i32 to vector<16xi32>
    %mul3A_680 = arith.mulf %add3A_556, %mul3A_641 : vector<16xf32>
    tpu.vector_store_idx %arg9[%add3A_348, %broadcast_in_dim3A_679], %mul3A_680 : memref<32x16xf32, #tpu.memory_space<vmem>>[vector<16xi32>, vector<16xi32>], vector<16xf32>,
    %broadcast_in_dim3A_681 = arith.constant 13 : i32
    %broadcast_in_dim3A_682 = vector.broadcast %broadcast_in_dim3A_681 : i32 to vector<16xi32>
    %mul3A_683 = arith.mulf %add3A_572, %mul3A_641 : vector<16xf32>
    tpu.vector_store_idx %arg9[%add3A_348, %broadcast_in_dim3A_682], %mul3A_683 : memref<32x16xf32, #tpu.memory_space<vmem>>[vector<16xi32>, vector<16xi32>], vector<16xf32>,
    %broadcast_in_dim3A_684 = arith.constant 14 : i32
    %broadcast_in_dim3A_685 = vector.broadcast %broadcast_in_dim3A_684 : i32 to vector<16xi32>
    %mul3A_686 = arith.mulf %add3A_588, %mul3A_641 : vector<16xf32>
    tpu.vector_store_idx %arg9[%add3A_348, %broadcast_in_dim3A_685], %mul3A_686 : memref<32x16xf32, #tpu.memory_space<vmem>>[vector<16xi32>, vector<16xi32>], vector<16xf32>,
    %broadcast_in_dim3A_687 = arith.constant 15 : i32
    %broadcast_in_dim3A_688 = vector.broadcast %broadcast_in_dim3A_687 : i32 to vector<16xi32>
    %mul3A_689 = arith.mulf %add3A_604, %mul3A_641 : vector<16xf32>
    tpu.vector_store_idx %arg9[%add3A_348, %broadcast_in_dim3A_688], %mul3A_689 : memref<32x16xf32, #tpu.memory_space<vmem>>[vector<16xi32>, vector<16xi32>], vector<16xf32>,
    %dma_start3A_690 = arith.constant 0 : i32
    %dma_start3A_691 = arith.constant 0 : i32
    %dma_start3A_692 = tpu.memref_slice %arg5[%dma_start3A_690, %dma_start3A_691] : memref<1000000x16xf32, #tpu.memory_space<hbm>> -> memref<1000000x16xf32, #tpu.memory_space<hbm>>
    tpu.enqueue_indirect_dma source(%arg9 : memref<32x16xf32, #tpu.memory_space<vmem>>) target(%dma_start3A_692 : memref<1000000x16xf32, #tpu.memory_space<hbm>>) offsets(%arg6 : memref<32xi32, #tpu.memory_space<vmem>>) semaphore(%arg10 : memref<!tpu.dma_semaphore, #tpu.memory_space<semaphore_mem>>)
    %dma_wait3A_693 = arith.constant 0 : i32
    %dma_wait3A_694 = arith.constant 0 : i32
    %dma_wait3A_695 = tpu.memref_slice %arg5[%dma_wait3A_693, %dma_wait3A_694] : memref<1000000x16xf32, #tpu.memory_space<hbm>> -> memref<1000000x16xf32, #tpu.memory_space<hbm>>
    tpu.wait_indirect_dma semaphore(%arg10 : memref<!tpu.dma_semaphore, #tpu.memory_space<semaphore_mem>>) src(%arg9 : memref<32x16xf32, #tpu.memory_space<vmem>>) dst(%dma_wait3A_695 : memref<1000000x16xf32, #tpu.memory_space<hbm>>)
    return
  }
}

module attributes {stable_mosaic.version = 14 : i64} {
  func.func @_tc_body(%arg0: i32, %arg1: memref<16x1024xf32, #tpu.memory_space<vmem>>, %arg2: memref<16x1024xf32, #tpu.memory_space<vmem>>, %arg3: memref<16x4096xf32, #tpu.memory_space<vmem>>, %arg4: memref<16x1024xf32, #tpu.memory_space<vmem>>, %arg5: memref<1x1xf32, #tpu.memory_space<vmem>>, %arg6: memref<16x1024xf32, #tpu.memory_space<vmem>>, %arg7: memref<16x1024xbf16, #tpu.memory_space<vmem>>, %arg8: memref<8x1024xf32, #tpu.memory_space<vmem>>) attributes {dimension_semantics = [#tpu.dimension_semantics<arbitrary>], iteration_bounds = array<i64: 245>, scalar_prefetch = 0 : i64, scratch_operands = 3 : i64, tpu.core_type = #tpu.core_type<tc>, window_params = [{pipeline_mode = #tpu.pipeline_mode<synchronous>, transform_indices = @transform_0, window_bounds = array<i64: 16, 1024>}, {pipeline_mode = #tpu.pipeline_mode<synchronous>, transform_indices = @transform_1, window_bounds = array<i64: 16, 1024>}, {transform_indices = @transform_2, window_bounds = array<i64: 16, 4096>}, {pipeline_mode = #tpu.pipeline_mode<synchronous>, transform_indices = @transform_3, window_bounds = array<i64: 16, 1024>}, {pipeline_mode = #tpu.pipeline_mode<synchronous>, transform_indices = @transform_4, window_bounds = array<i64: 1, 1>}]} {
    %eq3A = arith.constant 0 : i32
    %eq3A_0 = arith.cmpi eq, %arg0, %eq3A : i32
    %convert_element_type3A = arith.extui %eq3A_0 : i1 to i32
    %cond3A = arith.constant 0 : i32
    %cond3A_1 = arith.cmpi ne, %convert_element_type3A, %cond3A : i32
    scf.if %cond3A_1 {
      %get3A_22 = arith.constant 0 : index
      %get3A_23 = arith.constant 0 : index
      %get3A_24 = vector.load %arg1[%get3A_22, %get3A_23] : memref<16x1024xf32, #tpu.memory_space<vmem>>, vector<16x1024xf32>
      %mul3A_25 = arith.mulf %get3A_24, %get3A_24 : vector<16x1024xf32>
      %reduce_sum3A = arith.constant dense<0.000000e+00> : vector<1024xf32>
      %reduce_sum3A_26 = vector.multi_reduction <add>, %mul3A_25, %reduce_sum3A [0] : vector<16x1024xf32> to vector<1024xf32>
      %broadcast_in_dim3A = vector.shape_cast %reduce_sum3A_26 : vector<1024xf32> to vector<1x1024xf32>
      %sqrt3A = math.sqrt %broadcast_in_dim3A : vector<1x1024xf32>
      %max3A = arith.constant 9.99999996E-13 : f32
      %max3A_27 = vector.broadcast %max3A : f32 to vector<1x1024xf32>
      %max3A_28 = arith.maximumf %sqrt3A, %max3A_27 : vector<1x1024xf32>
      %div3A = vector.broadcast %max3A_28 : vector<1x1024xf32> to vector<16x1024xf32>
      %div3A_29 = arith.divf %get3A_24, %div3A : vector<16x1024xf32>
      %swap3A = arith.constant 0 : index
      %swap3A_30 = arith.constant 0 : index
      %swap3A_31 = vector.load %arg6[%swap3A, %swap3A_30] : memref<16x1024xf32, #tpu.memory_space<vmem>>, vector<16x1024xf32>
      tpu.vector_store %arg6[%swap3A, %swap3A_30], %div3A_29 {strides = array<i32>} : memref<16x1024xf32, #tpu.memory_space<vmem>>, vector<16x1024xf32>,
      %convert_element_type3A_32 = arith.truncf %div3A_29 : vector<16x1024xf32> to vector<16x1024xbf16>
      %swap3A_33 = arith.constant 0 : index
      %swap3A_34 = arith.constant 0 : index
      %swap3A_35 = vector.load %arg7[%swap3A_33, %swap3A_34] : memref<16x1024xbf16, #tpu.memory_space<vmem>>, vector<16x1024xbf16>
      tpu.vector_store %arg7[%swap3A_33, %swap3A_34], %convert_element_type3A_32 {strides = array<i32>} : memref<16x1024xbf16, #tpu.memory_space<vmem>>, vector<16x1024xbf16>,
      %broadcast_in_dim3A_36 = arith.constant 0.000000e+00 : f32
      %broadcast_in_dim3A_37 = vector.broadcast %broadcast_in_dim3A_36 : f32 to vector<8x1024xf32>
      %swap3A_38 = arith.constant 0 : index
      %swap3A_39 = arith.constant 0 : index
      %swap3A_40 = vector.load %arg8[%swap3A_38, %swap3A_39] : memref<8x1024xf32, #tpu.memory_space<vmem>>, vector<8x1024xf32>
      tpu.vector_store %arg8[%swap3A_38, %swap3A_39], %broadcast_in_dim3A_37 {strides = array<i32>} : memref<8x1024xf32, #tpu.memory_space<vmem>>, vector<8x1024xf32>,
    } else {
    }
    %get3A = arith.constant 0 : index
    %get3A_2 = arith.constant 0 : index
    %get3A_3 = vector.load %arg3[%get3A, %get3A_2] : memref<16x4096xf32, #tpu.memory_space<vmem>>, vector<16x4096xf32>
    %convert_element_type3A_4 = arith.truncf %get3A_3 : vector<16x4096xf32> to vector<16x4096xbf16>
    %get3A_5 = arith.constant 0 : index
    %get3A_6 = arith.constant 0 : index
    %get3A_7 = vector.load %arg7[%get3A_5, %get3A_6] : memref<16x1024xbf16, #tpu.memory_space<vmem>>, vector<16x1024xbf16>
    %dot_general3A = arith.constant dense<0.000000e+00> : vector<4096x1024xf32>
    %dot_general3A_8 = tpu.matmul %convert_element_type3A_4, %get3A_7, %dot_general3A {dimension_numbers = #tpu.dot_dimension_numbers<[0], [0], [1], [1], [0, 1, 1, 1], [], []>, transpose_lhs_hint = false} : vector<16x4096xbf16>, vector<16x1024xbf16>, vector<4096x1024xf32> -> vector<4096x1024xf32>
    %mul3A = arith.constant 20.60993 : f32
    %mul3A_9 = vector.broadcast %mul3A : f32 to vector<4096x1024xf32>
    %mul3A_10 = arith.mulf %dot_general3A_8, %mul3A_9 : vector<4096x1024xf32>
    %add3A = arith.constant -20.60993 : f32
    %add3A_11 = vector.broadcast %add3A : f32 to vector<4096x1024xf32>
    %add3A_12 = arith.addf %mul3A_10, %add3A_11 : vector<4096x1024xf32>
    %exp23A = math.exp2 %add3A_12 : vector<4096x1024xf32>
    %lt3A = arith.constant 244 : i32
    %lt3A_13 = arith.cmpi slt, %arg0, %lt3A : i32
    %convert_element_type3A_14 = arith.extui %lt3A_13 : i1 to i32
    %cond3A_15 = arith.constant 0 : i32
    %cond3A_16 = arith.cmpi ne, %convert_element_type3A_14, %cond3A_15 : i32
    scf.if %cond3A_16 {
      %get3A_22 = arith.constant 0 : index
      %get3A_23 = arith.constant 0 : index
      %get3A_24 = vector.load %arg8[%get3A_22, %get3A_23] : memref<8x1024xf32, #tpu.memory_space<vmem>>, vector<8x1024xf32>
      %reshape3A = vector.shape_cast %exp23A : vector<4096x1024xf32> to vector<512x8x1024xf32>
      %reduce_sum3A = arith.constant dense<0.000000e+00> : vector<8x1024xf32>
      %reduce_sum3A_25 = vector.multi_reduction <add>, %reshape3A, %reduce_sum3A [0] : vector<512x8x1024xf32> to vector<8x1024xf32>
      %add3A_26 = arith.addf %get3A_24, %reduce_sum3A_25 : vector<8x1024xf32>
      %swap3A = arith.constant 0 : index
      %swap3A_27 = arith.constant 0 : index
      %swap3A_28 = vector.load %arg8[%swap3A, %swap3A_27] : memref<8x1024xf32, #tpu.memory_space<vmem>>, vector<8x1024xf32>
      tpu.vector_store %arg8[%swap3A, %swap3A_27], %add3A_26 {strides = array<i32>} : memref<8x1024xf32, #tpu.memory_space<vmem>>, vector<8x1024xf32>,
    } else {
    }
    %eq3A_17 = arith.constant 244 : i32
    %eq3A_18 = arith.cmpi eq, %arg0, %eq3A_17 : i32
    %convert_element_type3A_19 = arith.extui %eq3A_18 : i1 to i32
    %cond3A_20 = arith.constant 0 : i32
    %cond3A_21 = arith.cmpi ne, %convert_element_type3A_19, %cond3A_20 : i32
    scf.if %cond3A_21 {
      %iota3A = tpu.iota {dimensions = array<i32: 0>} : vector<4096x1024xi32>
      %lt3A_22 = arith.constant 576 : i32
      %lt3A_23 = vector.broadcast %lt3A_22 : i32 to vector<4096x1024xi32>
      %lt3A_24 = arith.cmpi slt, %iota3A, %lt3A_23 : vector<4096x1024xi32>
      %jit3A = arith.constant 0.000000e+00 : f32
      %broadcast_in_dim3A = vector.broadcast %jit3A : f32 to vector<4096x1024xf32>
      %select_n3A = arith.select %lt3A_24, %exp23A, %broadcast_in_dim3A : vector<4096x1024xi1>, vector<4096x1024xf32>
      %get3A_25 = arith.constant 0 : index
      %get3A_26 = arith.constant 0 : index
      %get3A_27 = vector.load %arg8[%get3A_25, %get3A_26] : memref<8x1024xf32, #tpu.memory_space<vmem>>, vector<8x1024xf32>
      %reshape3A = vector.shape_cast %select_n3A : vector<4096x1024xf32> to vector<512x8x1024xf32>
      %reduce_sum3A = arith.constant dense<0.000000e+00> : vector<8x1024xf32>
      %reduce_sum3A_28 = vector.multi_reduction <add>, %reshape3A, %reduce_sum3A [0] : vector<512x8x1024xf32> to vector<8x1024xf32>
      %add3A_29 = arith.addf %get3A_27, %reduce_sum3A_28 : vector<8x1024xf32>
      %get3A_30 = arith.constant 0 : index
      %get3A_31 = arith.constant 0 : index
      %get3A_32 = vector.load %arg2[%get3A_30, %get3A_31] : memref<16x1024xf32, #tpu.memory_space<vmem>>, vector<16x1024xf32>
      %mul3A_33 = arith.mulf %get3A_32, %get3A_32 : vector<16x1024xf32>
      %reduce_sum3A_34 = arith.constant dense<0.000000e+00> : vector<1024xf32>
      %reduce_sum3A_35 = vector.multi_reduction <add>, %mul3A_33, %reduce_sum3A_34 [0] : vector<16x1024xf32> to vector<1024xf32>
      %broadcast_in_dim3A_36 = vector.shape_cast %reduce_sum3A_35 : vector<1024xf32> to vector<1x1024xf32>
      %sqrt3A = math.sqrt %broadcast_in_dim3A_36 : vector<1x1024xf32>
      %max3A = arith.constant 9.99999996E-13 : f32
      %max3A_37 = vector.broadcast %max3A : f32 to vector<1x1024xf32>
      %max3A_38 = arith.maximumf %sqrt3A, %max3A_37 : vector<1x1024xf32>
      %div3A = vector.broadcast %max3A_38 : vector<1x1024xf32> to vector<16x1024xf32>
      %div3A_39 = arith.divf %get3A_32, %div3A : vector<16x1024xf32>
      %swap3A = arith.constant 0 : index
      %swap3A_40 = arith.constant 0 : index
      %swap3A_41 = vector.load %arg4[%swap3A, %swap3A_40] : memref<16x1024xf32, #tpu.memory_space<vmem>>, vector<16x1024xf32>
      tpu.vector_store %arg4[%swap3A, %swap3A_40], %div3A_39 {strides = array<i32>} : memref<16x1024xf32, #tpu.memory_space<vmem>>, vector<16x1024xf32>,
      %get3A_42 = arith.constant 0 : index
      %get3A_43 = arith.constant 0 : index
      %get3A_44 = vector.load %arg6[%get3A_42, %get3A_43] : memref<16x1024xf32, #tpu.memory_space<vmem>>, vector<16x1024xf32>
      %mul3A_45 = arith.mulf %get3A_44, %div3A_39 : vector<16x1024xf32>
      %reduce_sum3A_46 = arith.constant dense<0.000000e+00> : vector<1024xf32>
      %reduce_sum3A_47 = vector.multi_reduction <add>, %mul3A_45, %reduce_sum3A_46 [0] : vector<16x1024xf32> to vector<1024xf32>
      %reduce_sum3A_48 = arith.constant dense<0.000000e+00> : vector<1024xf32>
      %reduce_sum3A_49 = vector.multi_reduction <add>, %add3A_29, %reduce_sum3A_48 [0] : vector<8x1024xf32> to vector<1024xf32>
      %sub3A = arith.constant 1.000000e+00 : f32
      %sub3A_50 = vector.broadcast %sub3A : f32 to vector<1024xf32>
      %sub3A_51 = arith.subf %reduce_sum3A_47, %sub3A_50 : vector<1024xf32>
      %mul3A_52 = arith.constant 14.2857141 : f32
      %mul3A_53 = vector.broadcast %mul3A_52 : f32 to vector<1024xf32>
      %mul3A_54 = arith.mulf %sub3A_51, %mul3A_53 : vector<1024xf32>
      %exp3A = math.exp %mul3A_54 : vector<1024xf32>
      %add3A_55 = arith.addf %reduce_sum3A_49, %exp3A : vector<1024xf32>
      %log3A = math.log %add3A_55 : vector<1024xf32>
      %add3A_56 = arith.constant 14.2857141 : f32
      %add3A_57 = vector.broadcast %add3A_56 : f32 to vector<1024xf32>
      %add3A_58 = arith.addf %add3A_57, %log3A : vector<1024xf32>
      %mul3A_59 = arith.constant 14.2857141 : f32
      %mul3A_60 = vector.broadcast %mul3A_59 : f32 to vector<1024xf32>
      %mul3A_61 = arith.mulf %reduce_sum3A_47, %mul3A_60 : vector<1024xf32>
      %sub3A_62 = arith.subf %add3A_58, %mul3A_61 : vector<1024xf32>
      %reduce_sum3A_63 = vector.shape_cast %sub3A_62 : vector<1024xf32> to vector<1x1024xf32>
      %reduce_sum3A_64 = arith.constant dense<0.000000e+00> : vector<1xf32>
      %reduce_sum3A_65 = vector.multi_reduction <add>, %reduce_sum3A_63, %reduce_sum3A_64 [1] : vector<1x1024xf32> to vector<1xf32>
      %reduce_sum3A_66 = vector.shape_cast %reduce_sum3A_65 : vector<1xf32> to vector<1x1xf32>
      %reduce_sum3A_67 = vector.extract %reduce_sum3A_66[0, 0] : f32 from vector<1x1xf32>
      %div3A_68 = arith.constant 1.024000e+03 : f32
      %div3A_69 = arith.divf %reduce_sum3A_67, %div3A_68 : f32
      %broadcast_in_dim3A_70 = vector.broadcast %div3A_69 : f32 to vector<1x1xf32>
      %swap3A_71 = arith.constant 0 : index
      %swap3A_72 = arith.constant 0 : index
      %swap3A_73 = vector.load %arg5[%swap3A_71, %swap3A_72] : memref<1x1xf32, #tpu.memory_space<vmem>>, vector<1x1xf32>
      tpu.vector_store %arg5[%swap3A_71, %swap3A_72], %broadcast_in_dim3A_70 {strides = array<i32>} : memref<1x1xf32, #tpu.memory_space<vmem>>, vector<1x1xf32>,
    } else {
    }
    return
  }
  func.func @transform_0(%arg0: i32) -> (i32, i32) {
    %c0_i32 = arith.constant 0 : i32
    %c0_i32_0 = arith.constant 0 : i32
    %c0_i32_1 = arith.constant 0 : i32
    return %c0_i32, %c0_i32_0 : i32, i32
  }
  func.func @transform_1(%arg0: i32) -> (i32, i32) {
    %c0_i32 = arith.constant 0 : i32
    %c0_i32_0 = arith.constant 0 : i32
    %c0_i32_1 = arith.constant 0 : i32
    return %c0_i32, %c0_i32_0 : i32, i32
  }
  func.func @transform_2(%arg0: i32) -> (i32, i32) {
    %c0_i32 = arith.constant 0 : i32
    %c0_i32_0 = arith.constant 0 : i32
    return %c0_i32, %arg0 : i32, i32
  }
  func.func @transform_3(%arg0: i32) -> (i32, i32) {
    %c0_i32 = arith.constant 0 : i32
    %c0_i32_0 = arith.constant 0 : i32
    %c0_i32_1 = arith.constant 0 : i32
    return %c0_i32, %c0_i32_0 : i32, i32
  }
  func.func @transform_4(%arg0: i32) -> (i32, i32) {
    %c0_i32 = arith.constant 0 : i32
    %c0_i32_0 = arith.constant 0 : i32
    %c0_i32_1 = arith.constant 0 : i32
    return %c0_i32, %c0_i32_0 : i32, i32
  }
}

</mosaic_0001>

<sc_bundles>
// kernel: kernel.4.cloned.1.call-start
scs
__scs_entry_jumppad:
0x0: {  	(pc) =	sbr.rel $0x88, $3  }
0x1: {  	(tag) =	ssettag $0x0;
	lr =	simm.s32 $0x1  }
0x2: {  	[smem:$0x3F9D] =	sst lr;
	_ =	strace $0xD0000000  }
0x3: {  	_ = 	snop  }
0x4: {  	_ = 	snop  }
0x5: {  	_ = 	snop  }
0x6: {  	_ = 	snop  }
0x7: {  	_ = 	snop  }
__scs_overlays_trampoline_lowered:
0x8: {  	[smem:$0x3FAC] =	sst s0  }
0x9: {  	[smem:$0x3FAD] =	sst s1  }
0xa: {  	[smem:$0x3FAE] =	sst s2  }
0xb: {  	[smem:$0x3FAF] =	sst s3  }
0xc: {  	[smem:$0x3FB0] =	sst s4  }
0xd: {  	[smem:$0x3FB1] =	sst s5  }
0xe: {  	[smem:$0x3FB2] =	sst s6  }
0xf: {  	[smem:$0x3FB3] =	sst s7  }
0x10: {  	[smem:$0x3FB4] =	sst s8  }
0x11: {  	[smem:$0x3FB5] =	sst s9;
	s0 =	simm.s32 @!p0 $0x0  }
0x12: {  	s1 =	sld [smem:$0x3F9B];
	s0 =	simm.s32 @p0 $0x1  }
0x13: {  	[smem:$0x3FB6] =	sst s0;
	s0 =	simm.s32 @!p1 $0x0  }
0x14: {  	s2 =	sld [smem:$0x3F9A];
	s0 =	simm.s32 @p1 $0x1  }
0x15: {  	[smem:$0x3FB7] =	sst s0;
	s0 =	simm.s32 @!p2 $0x0  }
0x16: {  	s3 =	sld [smem:$0x3FDB];
	s0 =	simm.s32 @p2 $0x1  }
0x17: {  	s4 =	simm.s32 $0x1BF5;
	[smem:$0x3FB9] =	sst s0  }
0x18: {  	s0 =	sld [smem:$0x3F9C];
	_ =	swait.ge [sflag:s4], $0x0  }
0x19: {  	s7 =	sld [smem:$0x3F9D]  }
0x1a: {  	s8 =	sadd.s32 $0xFFFFE003, lr  }
0x1b: {  	s9 =	sadd.s32 $0xFFFFFEF7, lr;
	s5 =	simm.s32 $0xFFFFFFFF;
	p2 =	slt.u32 s8, $0xFFFFF086  }
0x1c: {  	p1 =	slt.u32 s9, $0xF7A;
	s5 =	simm.s32 @!p2 $0x0  }
0x1d: {  	s5 =	simm.s32 @p1 $0x1;
	p0 =	seq.s32 s7, s2  }
0x1e: {  	s7 =	smul.u32 @!p0 $0xF7A, s2;
	p2 =	seq.s32 @!p0 s5, $0x0  }
0x1f: {  	s9 =	smul.u32 $0xF7A, s1;
	s8 =	simm.s32 @!p0 $0x1BF5;
	p2 =	por !p2, p0  }
0x20: {  	[sflag:s8] =	ssyncset.s32 @!p0 $0xFFFFF086;
	s6 =	sadd.s32 @!p0 s3, s7;
	s7 =	simm.s32 @!p0 $0x108  }
0x21: {  	s3 =	sadd.s32 s3, s9;
	s6 =	sadd.s32 @!p0 $0x88, s6;
	s7 =	simm.s32 @p2 $0x1082  }
0x22: {  	[simem:s7], [sflag:s8] =	dma.local @!p0 [hbm:s6], $0xF7A  }
0x23: {  	s9 =	sor.u32 $0xD0000000, s2;
	s6 =	simm.s32 $0x108;
	_ =	swait.ge @!p0 [sflag:s8], $0x0  }
0x24: {  	s3 =	sadd.s32 $0x88, s3;
	s6 =	simm.s32 @!p1 $0x1082;
	[sflag:s4] =	ssyncset.s32 $0xFFFFF086  }
0x25: {  	[simem:s6], [sflag:s4] =	dma.local [hbm:s3], $0xF7A  }
0x26: {  	[smem:$0x3F9D] =	sst s1;
	(tag) =	ssettag s2;
	_ =	strace s9  }
0x27: {  	s1 =	sld [smem:$0x3FAD]  }
0x28: {  	s2 =	sld [smem:$0x3FAE]  }
0x29: {  	s4 =	sld [smem:$0x3FB0]  }
0x2a: {  	p0 =	seq.s32 s5, $0x0;
	s5 =	sld [smem:$0x3FB1]  }
0x2b: {  	s6 =	sld [smem:$0x3FB2]  }
0x2c: {  	s7 =	sld [smem:$0x3FB3]  }
0x2d: {  	s3 =	simm.s32 $0x108;
	s8 =	sld [smem:$0x3FB4]  }
0x2e: {  	s3 =	simm.s32 @!p0 $0x1082;
	s9 =	sld [smem:$0x3FB5]  }
0x2f: {  	lr =	sadd.s32 s0, s3;
	s0 =	sld [smem:$0x3FAC]  }
0x30: {  	s3 =	sld [smem:$0x3FAF]  }
0x31: {  	[smem:$0x3FB8] =	sst s10  }
0x32: {  	s10 =	sld [smem:$0x3FB6];
	_ =	sdelay $0x3  }
0x33: {  	p0 =	seq.s32 s10, $0x1;
	s10 =	sld [smem:$0x3FB8];
	_ =	sdelay $0x3  }
0x34: {  	[smem:$0x3FB8] =	sst s10  }
0x35: {  	s10 =	sld [smem:$0x3FB7];
	_ =	sdelay $0x3  }
0x36: {  	p1 =	seq.s32 s10, $0x1;
	s10 =	sld [smem:$0x3FB8];
	_ =	sdelay $0x3  }
0x37: {  	[smem:$0x3FB8] =	sst s10  }
0x38: {  	s10 =	sld [smem:$0x3FB9]  }
0x39: {  	_ = 	snop;
	(pc) =	sbr.ind lr, $3  }
0x3a: {  	_ = 	snop  }
0x3b: {  	_ = 	snop  }
0x3c: {  	p2 =	seq.s32 s10, $0x1;
	s10 =	sld [smem:$0x3FB8]  }
0x3d: {  	_ =	shalt  }
0x3e: {  	_ =	shalt  }
0x3f: {  	_ =	shalt  }
0x40: {  	_ =	shalt  }
0x41: {  	_ =	shalt  }
0x42: {  	_ =	shalt  }
0x43: {  	_ =	shalt  }
0x44: {  	_ =	shalt  }
0x45: {  	_ =	shalt  }
0x46: {  	_ =	shalt  }
0x47: {  	_ =	shalt  }
0x48: {  	_ =	shalt  }
0x49: {  	_ =	shalt  }
0x4a: {  	_ =	shalt  }
0x4b: {  	_ =	shalt  }
0x4c: {  	_ =	shalt  }
0x4d: {  	_ =	shalt  }
0x4e: {  	_ =	shalt  }
0x4f: {  	_ =	shalt  }
0x50: {  	_ =	shalt  }
0x51: {  	_ =	shalt  }
0x52: {  	_ =	shalt  }
0x53: {  	_ =	shalt  }
0x54: {  	_ =	shalt  }
0x55: {  	_ =	shalt  }
0x56: {  	_ =	shalt  }
0x57: {  	_ =	shalt  }
0x58: {  	_ =	shalt  }
0x59: {  	_ =	shalt  }
0x5a: {  	_ =	shalt  }
0x5b: {  	_ =	shalt  }
0x5c: {  	_ =	shalt  }
0x5d: {  	_ =	shalt  }
0x5e: {  	_ =	shalt  }
0x5f: {  	_ =	shalt  }
0x60: {  	_ =	shalt  }
0x61: {  	_ =	shalt  }
0x62: {  	_ =	shalt  }
0x63: {  	_ =	shalt  }
0x64: {  	_ =	shalt  }
0x65: {  	_ =	shalt  }
0x66: {  	_ =	shalt  }
0x67: {  	_ =	shalt  }
0x68: {  	_ =	shalt  }
0x69: {  	_ =	shalt  }
0x6a: {  	_ =	shalt  }
0x6b: {  	_ =	shalt  }
0x6c: {  	_ =	shalt  }
0x6d: {  	_ =	shalt  }
0x6e: {  	_ =	shalt  }
0x6f: {  	_ =	shalt  }
0x70: {  	_ =	shalt  }
0x71: {  	_ =	shalt  }
0x72: {  	_ =	shalt  }
0x73: {  	_ =	shalt  }
0x74: {  	_ =	shalt  }
0x75: {  	_ =	shalt  }
0x76: {  	_ =	shalt  }
0x77: {  	_ =	shalt  }
0x78: {  	_ =	shalt  }
0x79: {  	_ =	shalt  }
0x7a: {  	_ =	shalt  }
0x7b: {  	_ =	shalt  }
0x7c: {  	_ =	shalt  }
0x7d: {  	_ =	shalt  }
0x7e: {  	_ =	shalt  }
0x7f: {  	_ =	shalt  }
0x80: {  	_ =	shalt  }
0x81: {  	_ =	shalt  }
0x82: {  	_ =	shalt  }
0x83: {  	_ =	shalt  }
0x84: {  	_ =	shalt  }
0x85: {  	_ =	shalt  }
0x86: {  	_ =	shalt  }
0x87: {  	_ =	shalt  }
.Lfunc_end0:
.L_simem_size_0:
called_computation.1_lowered:
.L_overlay_start_0:
0x88: {  	s2 =	sld [smem:$0x3FD9]  }
0x89: {  	s3 =	sld [smem:$0x3FFE];
	_ =	sdelay $0x1  }
0x8a: {  	s1 =	srdreg.scid  }
0x8b: {  	s0 =	sand.u32 $0x1, s1  }
0x8c: {  	s14 =	sshll.u32 s0, $0xA;
	s2 =	sadd.s32 s3, s2  }
0x8d: {  	s2 =	sadd.s32 s2, s14  }
0x8e: {  	[smem:$0x3FC4] =	sst s2  }
0x8f: {  	_ = 	snop  }
0x90: {  	s2 =	sld [smem:$0x3FD0];
	_ =	sdelay $0x2  }
0x91: {  	s4 =	simm.s32 $0xA;
	s5 =	simm.s32 $0x10;
	s15 =	sld [smem:$0x3FC6]  }
0x92: {  	[smem:s5], [sflag:s4] =	dma.local [hbm:s2], $0x1  }
0x93: {  	_ =	swait.eq [sflag:s4], $0x1  }
0x94: {  	[sflag:s4] =	ssyncset.done $0x0  }
0x95: {  	[sflag:s4] =	ssyncadd.s32 $0xFFFFFFFF  }
0x96: {  	s16 =	sld [smem:$0x11];
	(tm) =	ssettm $0x1  }
0x97: {  	s17 =	sld [smem:$0x3FFB];
	_ =	sdelay $0x3  }
0x98: {  	_ =	strace s17  }
0x99: {  	s4 =	sld [smem:$0x3FFC];
	_ =	sdelay $0x3  }
0x9a: {  	_ =	strace s4  }
0x9b: {  	s4 =	sld [smem:$0x3FFD];
	_ =	sdelay $0x3  }
0x9c: {  	_ =	strace s4  }
0x9d: {  	_ =	strace $0x8FFFFFFF  }
0x9e: {  	s18 =	sld [smem:$0x3FDB];
	_ =	sdelay $0x1  }
0x9f: {  	s19 =	simm.s32 $_scs_section_size  }
0xa0: {  	s6 =	simm.s32 $_size__tile_overlayer_lowered;
	s7 =	simm.s32 $_tile_overlayer_lowered  }
0xa1: {  	s22 =	simm.s32 $0x1BFF;
	s21 =	sshll.u32 s7, $0x1;
	s4 =	sadd.s32 s19, s18  }
0xa2: {  	s8 =	simm.s32 $0x0;
	s20 =	sshll.u32 s6, $0x1;
	s6 =	sadd.s32 s21, s4  }
0xa3: {  	[timem:s8], [sflag:s22] =	dma.local [hbm:s6], s20  }
0xa4: {  	_ =	swait.ge [sflag:s22], s20  }
0xa5: {  	s5 =	ssub.s32 $0x0, s20;
	[sflag:s22] =	ssyncset.done $0x0  }
0xa6: {  	[sflag:s22] =	ssyncadd.s32 s5;
	_ =	sdelay $0x1  }
0xa7: {  	s23 =	simm.s32 $0x1B8B  }
0xa8: {  	_ =	swait.ge [sflag:s23], $0x1  }
0xa9: {  	[sflag:s23] =	ssyncset.done $0x0  }
0xaa: {  	s25 =	simm.s32 $0x1B8E;
	s24 =	sld [smem:$0x3FFE];
	[sflag:s23] =	ssyncadd.s32 $0xFFFFFFFF  }
0xab: {  	s26 =	simm.s32 $execute0_lowered;
	[smem:$0x3FD2] =	sst s25  }
0xac: {  	s6 =	sshll.u32 s26, $0x1;
	_ =	strace $0x80000046;
	[dreg:$0x1] =	wrdreg $0xFFFFFFFF  }
0xad: {  	s28 =	simm.s32 $_size_execute0_lowered;
	s4 =	sadd.s32 s4, s6;
	[dreg:$0x0] =	wrdreg $0x0  }
0xae: {  	s6 =	sshll.u32 s28, $0x1;
	[dreg:$0x2] =	wrdreg s4  }
0xaf: {  	[dreg:$0x3] =	wrdreg s6  }
0xb0: {  	[dreg:$0x4] =	wrdreg $0xC0  }
0xb1: {  	_ =	task [dreg:s8], $0x5FFFF  }
0xb2: {  	[dreg:$0x1] =	wrdreg $0xFFFFFFFF  }
0xb3: {  	[dreg:$0x0] =	wrdreg $0x60  }
0xb4: {  	[dreg:$0x2] =	wrdreg s24  }
0xb5: {  	[dreg:$0x3] =	wrdreg s15  }
0xb6: {  	[dreg:$0x4] =	wrdreg s16  }
0xb7: {  	[dreg:$0x5] =	wrdreg $0x9  }
0xb8: {  	_ =	task.clear_ibuf [dreg:s8], $0x6FFFF;
	_ =	strace $0x90000046  }
0xb9: {  	s29 =	simm.s32 $0x9;
	_ =	strace $0x80000048  }
0xba: {  	_ =	swait.ge [sflag:s29], $0x1  }
0xbb: {  	[sflag:s29] =	ssyncadd.s32 $0xFFFFFFFF  }
0xbc: {  	_ =	strace $0x90000048  }
0xbd: {  	_ =	sfence  }
0xbe: {  	s30 =	sld [smem:$0x0];
	_ =	sdelay $0x2  }
0xbf: {  	s31 =	sshll.u32 s1, $0xD;
	s1 =	sshrl.u32 s1, $0x2  }
0xc0: {  	s3 =	sand.u32 $0x4000, s31;
	s1 =	sadd.s32 s1, s30  }
0xc1: {  	s0 =	sor.u32 s3, s0;
	s1 =	sshll.u32 s1, $0x11  }
0xc2: {  	s0 =	sor.u32 s1, s0  }
0xc3: {  	s0 =	sadd.s32 $0x8F2B, s0  }
0xc4: {  	[sflag:s0] =	ssyncadd.remote.s32 $0x1  }
0xc5: {  	_ =	sfence.sel $0xFFFF  }
0xc6: {  	[dreg:$0x0] =	wrdreg $0xFFFFFFFF;
	(pc) =	sbr.abs _section_cstart, $3  }
0xc7: {  	[dreg:$0x1] =	wrdreg $0xFFFFFFFF  }
0xc8: {  	_ =	task.clear_ibuf [dreg:s8], $0x2FFFF;
	_ =	strace $0x9FFFFFFF  }
0xc9: {  	(tm) =	ssettm $0x7FFFFFFF  }
tec
execute0_lowered:
.L_overlay_start_1:
0x0: {  	(tag) =	ssettag $0x1  }
0x1: {  	v0 =	vlaneseq.u32  }
0x2: {  	v0 =	vmul.u32 $0x10, v0;
	_ =	sdelay $0x1  }
0x3: {  	s4 =	rddreg [dreg:$0x0];
	v1 =	vor.u32 $0x1, v0  }
0x4: {  	s5 =	rddreg [dreg:$0x1];
	v2 =	vor.u32 $0x2, v0;
	v3 =	vor.u32 $0x3, v0;
	v4 =	vor.u32 $0x4, v0  }
0x5: {  	s1 =	rddreg [dreg:$0x2];
	v5 =	vor.u32 $0x5, v0;
	v6 =	vor.u32 $0x6, v0;
	v7 =	vor.u32 $0x7, v0  }
0x6: {  	s0 =	rddreg [dreg:$0x3];
	s6 =	srdreg.scid;
	v8 =	vor.u32 $0x8, v0;
	v9 =	vor.u32 $0x9, v0;
	v10 =	vor.u32 $0xA, v0  }
0x7: {  	s3 =	simm.s32 $0x0;
	s2 =	stileid.u32;
	s10 =	simm.s32 $0x220;
	v11 =	vor.u32 $0xB, v0;
	v12 =	vor.u32 $0xC, v0;
	v13 =	vor.u32 $0xD, v0  }
0x8: {  	s11 =	simm.s32 $0x1;
	s12 =	simm.s32 $0x420;
	s6 =	sand.u32 $0x1, s6;
	v14 =	vor.u32 $0xE, v0;
	v15 =	vor.u32 $0xF, v0;
	v16 =	vor.u32 $0x100, v0  }
0x9: {  	s7 =	sshll.u32 s2, $0x3;
	[smem:$0x7FF] =	sst s3;
	s8 =	sshll.u32 s6, $0x2;
	v17 =	vor.u32 $0x101, v0;
	v18 =	vor.u32 $0x102, v0;
	v19 =	vor.u32 $0x103, v0  }
0xa: {  	s6 =	ssub.s32 $0x2, s6;
	_ =	strace $0x80000047;
	s7 =	sor.u32 s8, s7;
	v20 =	vor.u32 $0x104, v0;
	v21 =	vor.u32 $0x105, v0;
	v22 =	vor.u32 $0x106, v0  }
0xb: {  	s31 =	sshrl.u32 s6, $0x1;
	v23 =	vor.u32 $0x107, v0;
	v24 =	vor.u32 $0x108, v0;
	v25 =	vor.u32 $0x109, v0;
	s8 =	simm.s32 $0x400;
	s9 =	sadd.s32 s7, s4  }
0xc: {  	v26 =	vor.u32 $0x10A, v0;
	v27 =	vor.u32 $0x10B, v0;
	v28 =	vor.u32 $0x10C, v0;
	s6 =	ssub.s32 s6, s31;
	s4 =	sadd.s32 s5, s7;
	s7 =	simm.s32 $0x2  }
0xd: {  	v29 =	vor.u32 $0x10D, v0;
	v30 =	vor.u32 $0x10E, v0;
	v31 =	vor.u32 $0x10F, v0;
	s5 =	sadd.s32 $0xF43200, s9;
	s6 =	smax.u32 s6, $0x1;
	s9 =	simm.s32 $0x20  }
.LBB2_1:
0xe: {  	[tilespmem:s3], [sflag:$0x2] =	stream.linear.gather [hbm4b:s4+s3], $0x20, $0x38;
	[tilespmem:$0x620] =	vst v63  }
0xf: {  	_ =	swait.ge [sflag:s7], $0x20  }
0x10: {  	[sflag:s7] =	ssyncset.done $0x0  }
0x11: {  	[sflag:s7] =	ssyncadd.s32 $0xFFFFFFE0  }
0x12: {  	[tilespmem:s9], [sflag:$0x2] =	stream.strided.gather [hbm4b:s5+s9], $0x200, s8, s9, $0x38;
	[tilespmem:$0x620] =	vst v63  }
0x13: {  	_ =	swait.ge [sflag:s7], $0x200  }
0x14: {  	[sflag:s7] =	ssyncset.done $0x0  }
0x15: {  	[sflag:s7] =	ssyncadd.s32 $0xFFFFFE00  }
0x16: {  	[tilespmem:s10], [sflag:$0x1] =	stream.indirect.gather [hbm4b:s1+s9], $0x10, s3, s9, $0xb8;
	[tilespmem:$0x620] =	vst v63  }
0x17: {  	_ =	swait.ge [sflag:s11], $0x200  }
0x18: {  	[sflag:s11] =	ssyncset.done $0x0  }
0x19: {  	[sflag:s11] =	ssyncadd.s32 $0xFFFFFE00  }
0x1a: {  	v32 =	vld.idx.msk [tilespmem:v0+s10+$0x0], $0xffff  }
0x1b: {  	v33 =	vld [tilespmem:$0x20]  }
0x1c: {  	v34 =	vld.idx.msk [tilespmem:v1+s10+$0x0], $0xffff  }
0x1d: {  	v35 =	vld [tilespmem:$0x40]  }
0x1e: {  	v36 =	vld.idx.msk [tilespmem:v2+s10+$0x0], $0xffff  }
0x1f: {  	v37 =	vld [tilespmem:$0x60]  }
0x20: {  	v38 =	vld.idx.msk [tilespmem:v3+s10+$0x0], $0xffff  }
0x21: {  	v39 =	vld [tilespmem:$0x80]  }
0x22: {  	v54 =	vld.idx.msk [tilespmem:v4+s10+$0x0], $0xffff  }
0x23: {  	v57 =	vld [tilespmem:$0xA0];
	v32 =	vmul.f32 $5.000000000e-01, v32;
	v33 =	vmul.f32 $5.000000000e-01, v33  }
0x24: {  	v42 =	vld.idx.msk [tilespmem:v5+s10+$0x0], $0xffff;
	v34 =	vmul.f32 $5.000000000e-01, v34;
	v35 =	vmul.f32 $5.000000000e-01, v35  }
0x25: {  	v60 =	vld [tilespmem:$0xC0];
	v55 =	vmul.f32 $5.000000000e-01, v36  }
0x26: {  	v62 =	vld.idx.msk [tilespmem:v6+s10+$0x0], $0xffff;
	v56 =	vmul.f32 $5.000000000e-01, v37;
	v32 =	vadd.f32 v33, v32;
	v33 =	vadd.f32 v35, v34  }
0x27: {  	v43 =	vld [tilespmem:$0xE0];
	v58 =	vmul.f32 $5.000000000e-01, v38;
	v59 =	vmul.f32 $5.000000000e-01, v39  }
0x28: {  	v44 =	vld.idx.msk [tilespmem:v7+s10+$0x0], $0xffff;
	v35 =	vadd.f32 v56, v55;
	v40 =	vmul.f32 v32, v32;
	v41 =	vmul.f32 v33, v33  }
0x29: {  	v48 =	vld [tilespmem:$0x100];
	v37 =	vmul.f32 $5.000000000e-01, v57;
	v47 =	vmul.f32 $5.000000000e-01, v42;
	v36 =	vadd.f32 v59, v58  }
0x2a: {  	v45 =	vld [tilespmem:$0x120];
	v34 =	vmul.f32 $5.000000000e-01, v54;
	v61 =	vmul.f32 v35, v35;
	v40 =	vadd.f32 v41, v40  }
0x2b: {  	v46 =	vld.idx.msk [tilespmem:v9+s10+$0x0], $0xffff;
	v39 =	vmul.f32 $5.000000000e-01, v60;
	v38 =	vmul.f32 $5.000000000e-01, v62  }
0x2c: {  	v53 =	vld [tilespmem:$0x140];
	v63 =	vmul.f32 v36, v36;
	v34 =	vadd.f32 v37, v34;
	v40 =	vadd.f32 v61, v40  }
0x2d: {  	v50 =	vld.idx.msk [tilespmem:v8+s10+$0x0], $0xffff;
	v43 =	vmul.f32 $5.000000000e-01, v43;
	v52 =	vmul.f32 $5.000000000e-01, v44  }
0x2e: {  	v37 =	vadd.f32 v39, v47;
	v49 =	vmul.f32 v34, v34;
	v40 =	vadd.f32 v63, v40  }
0x2f: {  	v42 =	vmul.f32 $5.000000000e-01, v48;
	v45 =	vmul.f32 $5.000000000e-01, v45;
	v48 =	vld.idx.msk [tilespmem:v11+s10+$0x0], $0xffff  }
0x30: {  	v38 =	vadd.f32 v43, v38;
	v55 =	vld.idx.msk [tilespmem:v10+s10+$0x0], $0xffff;
	v51 =	vmul.f32 v37, v37;
	v40 =	vadd.f32 v49, v40  }
0x31: {  	v57 =	vmul.f32 $5.000000000e-01, v46;
	v44 =	vmul.f32 $5.000000000e-01, v53;
	v42 =	vadd.f32 v42, v52;
	v47 =	vld [tilespmem:$0x160]  }
0x32: {  	v58 =	vld [tilespmem:$0x180];
	v54 =	vmul.f32 v38, v38;
	v39 =	vmul.f32 $5.000000000e-01, v50;
	v40 =	vadd.f32 v51, v40  }
0x33: {  	v60 =	vld.idx.msk [tilespmem:v12+s10+$0x0], $0xffff;
	v44 =	vadd.f32 v44, v57  }
0x34: {  	v57 =	vld.idx.msk [tilespmem:v14+s10+$0x0], $0xffff;
	v56 =	vmul.f32 v42, v42;
	v39 =	vadd.f32 v45, v39;
	v40 =	vadd.f32 v54, v40  }
0x35: {  	v43 =	vmul.f32 $5.000000000e-01, v55;
	v49 =	vld [tilespmem:$0x1A0]  }
0x36: {  	v59 =	vmul.f32 v39, v39;
	v47 =	vmul.f32 $5.000000000e-01, v47;
	v63 =	vld [tilespmem:$0x1C0];
	v40 =	vadd.f32 v56, v40  }
0x37: {  	v50 =	vld.idx.msk [tilespmem:v13+s10+$0x0], $0xffff;
	v62 =	vmul.f32 $5.000000000e-01, v48;
	v46 =	vmul.f32 $5.000000000e-01, v58  }
0x38: {  	v61 =	vmul.f32 v44, v44;
	v43 =	vadd.f32 v47, v43;
	v51 =	vld [tilespmem:$0x1E0];
	v40 =	vadd.f32 v59, v40  }
0x39: {  	v52 =	vld.idx.msk [tilespmem:v15+s10+$0x0], $0xffff;
	v45 =	vmul.f32 $5.000000000e-01, v60;
	v46 =	vadd.f32 v46, v62  }
0x3a: {  	v60 =	vld [tilespmem:$0x200];
	v49 =	vmul.f32 $5.000000000e-01, v49;
	v56 =	vmul.f32 v43, v43;
	v40 =	vadd.f32 v61, v40  }
0x3b: {  	v58 =	vmul.f32 v46, v46;
	v48 =	vmul.f32 $5.000000000e-01, v63  }
0x3c: {  	v45 =	vadd.f32 v49, v45;
	v59 =	vmul.f32 $5.000000000e-01, v50;
	v40 =	vadd.f32 v56, v40  }
0x3d: {  	v47 =	vmul.f32 $5.000000000e-01, v57;
	v62 =	vmul.f32 $5.000000000e-01, v51  }
0x3e: {  	v61 =	vmul.f32 v45, v45;
	v48 =	vadd.f32 v48, v59;
	v40 =	vadd.f32 v58, v40  }
0x3f: {  	v52 =	vmul.f32 $5.000000000e-01, v52;
	v50 =	vmul.f32 $5.000000000e-01, v60  }
0x40: {  	v47 =	vadd.f32 v62, v47;
	v63 =	vmul.f32 v48, v48;
	v40 =	vadd.f32 v61, v40;
	_ =	sdelay $0x1  }
0x41: {  	v49 =	vadd.f32 v50, v52;
	v53 =	vmul.f32 v47, v47;
	v40 =	vadd.f32 v63, v40;
	_ =	sdelay $0x1  }
0x42: {  	v54 =	vmul.f32 v49, v49;
	v40 =	vadd.f32 v53, v40;
	_ =	sdelay $0x1  }
0x43: {  	v40 =	vadd.f32 v54, v40;
	_ =	sdelay $0x1  }
0x44: {  	v41 =	vshrl.u32 v40, $0x1;
	v40 =	vmul.f32 $5.000000000e-01, v40  }
0x45: {  	v41 =	vsub.s32 $0x5F3759DF, v41  }
0x46: {  	v55 =	vmul.f32 v41, v40;
	_ =	sdelay $0x1  }
0x47: {  	v50 =	vmul.f32 v41, v55;
	_ =	sdelay $0x1  }
0x48: {  	v50 =	vsub.f32 $1.500000000e+00, v50;
	_ =	sdelay $0x1  }
0x49: {  	v41 =	vmul.f32 v41, v50;
	_ =	sdelay $0x1  }
0x4a: {  	v50 =	vmul.f32 v41, v40;
	_ =	sdelay $0x1  }
0x4b: {  	v50 =	vmul.f32 v50, v41;
	_ =	sdelay $0x1  }
0x4c: {  	v50 =	vsub.f32 $1.500000000e+00, v50;
	_ =	sdelay $0x1  }
0x4d: {  	v41 =	vmul.f32 v50, v41;
	_ =	sdelay $0x1  }
0x4e: {  	v40 =	vmul.f32 v41, v40;
	_ =	sdelay $0x1  }
0x4f: {  	v40 =	vmul.f32 v40, v41;
	_ =	sdelay $0x1  }
0x50: {  	v40 =	vsub.f32 $1.500000000e+00, v40;
	_ =	sdelay $0x1  }
0x51: {  	v40 =	vmul.f32 v40, v41;
	_ =	sdelay $0x1  }
0x52: {  	v32 =	vmul.f32 v40, v32  }
0x53: {  	v33 =	vmul.f32 v40, v33  }
0x54: {  	v56 =	vmul.f32 v40, v35;
	[tilespmem:v0+s12+$0x0] =	vst.idx.msk $0xffff, v32  }
0x55: {  	v57 =	vmul.f32 v40, v36;
	[tilespmem:v1+s12+$0x0] =	vst.idx.msk $0xffff, v33  }
0x56: {  	v58 =	vmul.f32 v40, v34;
	[tilespmem:v2+s12+$0x0] =	vst.idx.msk $0xffff, v56  }
0x57: {  	v59 =	vmul.f32 v40, v37;
	[tilespmem:v3+s12+$0x0] =	vst.idx.msk $0xffff, v57  }
0x58: {  	v60 =	vmul.f32 v40, v38;
	[tilespmem:v4+s12+$0x0] =	vst.idx.msk $0xffff, v58  }
0x59: {  	v61 =	vmul.f32 v40, v42;
	[tilespmem:v5+s12+$0x0] =	vst.idx.msk $0xffff, v59  }
0x5a: {  	v62 =	vmul.f32 v40, v39;
	[tilespmem:v6+s12+$0x0] =	vst.idx.msk $0xffff, v60  }
0x5b: {  	v63 =	vmul.f32 v40, v44;
	[tilespmem:v7+s12+$0x0] =	vst.idx.msk $0xffff, v61  }
0x5c: {  	v36 =	vmul.f32 v40, v43;
	[tilespmem:v8+s12+$0x0] =	vst.idx.msk $0xffff, v62  }
0x5d: {  	v37 =	vmul.f32 v40, v46;
	[tilespmem:v9+s12+$0x0] =	vst.idx.msk $0xffff, v63  }
0x5e: {  	v38 =	vmul.f32 v40, v45;
	[tilespmem:v10+s12+$0x0] =	vst.idx.msk $0xffff, v36  }
0x5f: {  	v39 =	vmul.f32 v40, v48;
	[tilespmem:v11+s12+$0x0] =	vst.idx.msk $0xffff, v37  }
0x60: {  	v41 =	vmul.f32 v40, v47;
	[tilespmem:v12+s12+$0x0] =	vst.idx.msk $0xffff, v38  }
0x61: {  	v42 =	vmul.f32 v40, v49;
	[tilespmem:v13+s12+$0x0] =	vst.idx.msk $0xffff, v39  }
0x62: {  	[tilespmem:v14+s12+$0x0] =	vst.idx.msk $0xffff, v41  }
0x63: {  	[tilespmem:v15+s12+$0x0] =	vst.idx.msk $0xffff, v42  }
0x64: {  	v32 =	vld.idx.msk [tilespmem:v16+s10+$0x0], $0xffff  }
0x65: {  	v33 =	vld [tilespmem:$0x30]  }
0x66: {  	v43 =	vld.idx.msk [tilespmem:v17+s10+$0x0], $0xffff  }
0x67: {  	v44 =	vld [tilespmem:$0x50]  }
0x68: {  	v45 =	vld.idx.msk [tilespmem:v18+s10+$0x0], $0xffff  }
0x69: {  	v46 =	vld [tilespmem:$0x70]  }
0x6a: {  	v47 =	vld.idx.msk [tilespmem:v19+s10+$0x0], $0xffff  }
0x6b: {  	v48 =	vld [tilespmem:$0x90]  }
0x6c: {  	v49 =	vld.idx.msk [tilespmem:v20+s10+$0x0], $0xffff;
	v32 =	vmul.f32 $5.000000000e-01, v32;
	v33 =	vmul.f32 $5.000000000e-01, v33  }
0x6d: {  	v52 =	vld [tilespmem:$0xB0];
	v34 =	vmul.f32 $5.000000000e-01, v43;
	v35 =	vmul.f32 $5.000000000e-01, v44  }
0x6e: {  	v55 =	vld.idx.msk [tilespmem:v21+s10+$0x0], $0xffff;
	v50 =	vmul.f32 $5.000000000e-01, v45  }
0x6f: {  	v58 =	vld [tilespmem:$0xD0];
	v51 =	vmul.f32 $5.000000000e-01, v46;
	v32 =	vadd.f32 v33, v32;
	v33 =	vadd.f32 v35, v34  }
0x70: {  	v60 =	vld.idx.msk [tilespmem:v22+s10+$0x0], $0xffff;
	v56 =	vmul.f32 $5.000000000e-01, v47;
	v57 =	vmul.f32 $5.000000000e-01, v48  }
0x71: {  	v61 =	vld [tilespmem:$0xF0];
	v35 =	vadd.f32 v51, v50;
	v53 =	vmul.f32 v32, v32;
	v54 =	vmul.f32 v33, v33  }
0x72: {  	v63 =	vld.idx.msk [tilespmem:v23+s10+$0x0], $0xffff;
	v37 =	vmul.f32 $5.000000000e-01, v52;
	v36 =	vadd.f32 v57, v56  }
0x73: {  	v52 =	vld [tilespmem:$0x130];
	v34 =	vmul.f32 $5.000000000e-01, v49;
	v59 =	vmul.f32 v35, v35;
	v40 =	vadd.f32 v54, v53  }
0x74: {  	v48 =	vmul.f32 $5.000000000e-01, v55;
	v39 =	vmul.f32 $5.000000000e-01, v58;
	v49 =	vld [tilespmem:$0x110]  }
0x75: {  	v51 =	vld.idx.msk [tilespmem:v24+s10+$0x0], $0xffff;
	v62 =	vmul.f32 v36, v36;
	v34 =	vadd.f32 v37, v34;
	v40 =	vadd.f32 v59, v40  }
0x76: {  	v38 =	vmul.f32 $5.000000000e-01, v60;
	v43 =	vmul.f32 $5.000000000e-01, v61;
	v58 =	vld.idx.msk [tilespmem:v26+s10+$0x0], $0xffff  }
0x77: {  	v56 =	vld [tilespmem:$0x150];
	v37 =	vadd.f32 v39, v48;
	v50 =	vmul.f32 v34, v34;
	v40 =	vadd.f32 v62, v40  }
0x78: {  	v55 =	vmul.f32 $5.000000000e-01, v63;
	v38 =	vadd.f32 v43, v38;
	v54 =	vld.idx.msk [tilespmem:v25+s10+$0x0], $0xffff  }
0x79: {  	v53 =	vmul.f32 v37, v37;
	v42 =	vmul.f32 $5.000000000e-01, v49;
	v59 =	vld [tilespmem:$0x170];
	v40 =	vadd.f32 v50, v40  }
0x7a: {  	v61 =	vld.idx.msk [tilespmem:v27+s10+$0x0], $0xffff;
	v45 =	vmul.f32 $5.000000000e-01, v52;
	v39 =	vmul.f32 $5.000000000e-01, v51  }
0x7b: {  	v63 =	vld [tilespmem:$0x190];
	v57 =	vmul.f32 v38, v38;
	v42 =	vadd.f32 v42, v55;
	v40 =	vadd.f32 v53, v40  }
0x7c: {  	v43 =	vmul.f32 $5.000000000e-01, v58;
	v58 =	vld [tilespmem:$0x1D0];
	v44 =	vmul.f32 $5.000000000e-01, v56;
	v39 =	vadd.f32 v45, v39  }
0x7d: {  	v60 =	vmul.f32 v42, v42;
	v62 =	vmul.f32 $5.000000000e-01, v54;
	v54 =	vld [tilespmem:$0x1B0];
	v40 =	vadd.f32 v57, v40  }
0x7e: {  	v47 =	vmul.f32 $5.000000000e-01, v59;
	v53 =	vld.idx.msk [tilespmem:v28+s10+$0x0], $0xffff  }
0x7f: {  	v56 =	vld.idx.msk [tilespmem:v29+s10+$0x0], $0xffff;
	v52 =	vmul.f32 v39, v39;
	v44 =	vadd.f32 v44, v62;
	v40 =	vadd.f32 v60, v40  }
0x80: {  	v43 =	vadd.f32 v47, v43;
	v57 =	vmul.f32 $5.000000000e-01, v61;
	v61 =	vld [tilespmem:$0x1F0]  }
0x81: {  	v46 =	vmul.f32 $5.000000000e-01, v63;
	v55 =	vmul.f32 v44, v44;
	v60 =	vld.idx.msk [tilespmem:v30+s10+$0x0], $0xffff;
	v40 =	vadd.f32 v52, v40  }
0x82: {  	v49 =	vmul.f32 $5.000000000e-01, v54;
	v59 =	vmul.f32 v43, v43  }
0x83: {  	v63 =	vld.idx.msk [tilespmem:v31+s10+$0x0], $0xffff;
	v46 =	vadd.f32 v46, v57;
	v45 =	vmul.f32 $5.000000000e-01, v53;
	v40 =	vadd.f32 v55, v40  }
0x84: {  	v48 =	vmul.f32 $5.000000000e-01, v58;
	v55 =	vmul.f32 $5.000000000e-01, v56;
	v56 =	vld [tilespmem:$0x210]  }
0x85: {  	v62 =	vmul.f32 v46, v46;
	v45 =	vadd.f32 v49, v45;
	v40 =	vadd.f32 v59, v40  }
0x86: {  	v58 =	vmul.f32 $5.000000000e-01, v61;
	v47 =	vmul.f32 $5.000000000e-01, v60  }
0x87: {  	v57 =	vmul.f32 v45, v45;
	v41 =	vadd.f32 v48, v55;
	v40 =	vadd.f32 v62, v40  }
0x88: {  	v60 =	vmul.f32 $5.000000000e-01, v63;
	v47 =	vadd.f32 v58, v47  }
0x89: {  	v59 =	vmul.f32 v41, v41;
	v50 =	vmul.f32 $5.000000000e-01, v56;
	v40 =	vadd.f32 v57, v40;
	_ =	sdelay $0x1  }
0x8a: {  	v61 =	vmul.f32 v47, v47;
	v49 =	vadd.f32 v50, v60;
	v40 =	vadd.f32 v59, v40;
	_ =	sdelay $0x1  }
0x8b: {  	v62 =	vmul.f32 v49, v49;
	v40 =	vadd.f32 v61, v40;
	_ =	sdelay $0x1  }
0x8c: {  	v40 =	vadd.f32 v62, v40;
	_ =	sdelay $0x1  }
0x8d: {  	v48 =	vshrl.u32 v40, $0x1;
	v40 =	vmul.f32 $5.000000000e-01, v40  }
0x8e: {  	v48 =	vsub.s32 $0x5F3759DF, v48  }
0x8f: {  	v63 =	vmul.f32 v48, v40;
	_ =	sdelay $0x1  }
0x90: {  	v50 =	vmul.f32 v48, v63;
	_ =	sdelay $0x1  }
0x91: {  	v50 =	vsub.f32 $1.500000000e+00, v50;
	_ =	sdelay $0x1  }
0x92: {  	v48 =	vmul.f32 v48, v50;
	_ =	sdelay $0x1  }
0x93: {  	v50 =	vmul.f32 v48, v40;
	_ =	sdelay $0x1  }
0x94: {  	v50 =	vmul.f32 v50, v48;
	_ =	sdelay $0x1  }
0x95: {  	v50 =	vsub.f32 $1.500000000e+00, v50;
	_ =	sdelay $0x1  }
0x96: {  	v48 =	vmul.f32 v50, v48;
	_ =	sdelay $0x1  }
0x97: {  	v40 =	vmul.f32 v48, v40;
	_ =	sdelay $0x1  }
0x98: {  	v40 =	vmul.f32 v40, v48;
	_ =	sdelay $0x1  }
0x99: {  	v40 =	vsub.f32 $1.500000000e+00, v40;
	_ =	sdelay $0x1  }
0x9a: {  	v40 =	vmul.f32 v40, v48;
	_ =	sdelay $0x1  }
0x9b: {  	v32 =	vmul.f32 v40, v32  }
0x9c: {  	v33 =	vmul.f32 v40, v33  }
0x9d: {  	v50 =	vmul.f32 v40, v35;
	[tilespmem:v16+s12+$0x0] =	vst.idx.msk $0xffff, v32  }
0x9e: {  	v51 =	vmul.f32 v40, v36;
	[tilespmem:v17+s12+$0x0] =	vst.idx.msk $0xffff, v33  }
0x9f: {  	v52 =	vmul.f32 v40, v34;
	[tilespmem:v18+s12+$0x0] =	vst.idx.msk $0xffff, v50  }
0xa0: {  	v53 =	vmul.f32 v40, v37;
	[tilespmem:v19+s12+$0x0] =	vst.idx.msk $0xffff, v51  }
0xa1: {  	v54 =	vmul.f32 v40, v38;
	[tilespmem:v20+s12+$0x0] =	vst.idx.msk $0xffff, v52  }
0xa2: {  	v55 =	vmul.f32 v40, v42;
	[tilespmem:v21+s12+$0x0] =	vst.idx.msk $0xffff, v53  }
0xa3: {  	v56 =	vmul.f32 v40, v39;
	[tilespmem:v22+s12+$0x0] =	vst.idx.msk $0xffff, v54  }
0xa4: {  	v57 =	vmul.f32 v40, v44;
	[tilespmem:v23+s12+$0x0] =	vst.idx.msk $0xffff, v55  }
0xa5: {  	v58 =	vmul.f32 v40, v43;
	[tilespmem:v24+s12+$0x0] =	vst.idx.msk $0xffff, v56  }
0xa6: {  	v59 =	vmul.f32 v40, v46;
	[tilespmem:v25+s12+$0x0] =	vst.idx.msk $0xffff, v57  }
0xa7: {  	v60 =	vmul.f32 v40, v45;
	[tilespmem:v26+s12+$0x0] =	vst.idx.msk $0xffff, v58  }
0xa8: {  	v61 =	vmul.f32 v40, v41;
	[tilespmem:v27+s12+$0x0] =	vst.idx.msk $0xffff, v59  }
0xa9: {  	v62 =	vmul.f32 v40, v47;
	[tilespmem:v28+s12+$0x0] =	vst.idx.msk $0xffff, v60  }
0xaa: {  	v63 =	vmul.f32 v40, v49;
	[tilespmem:v29+s12+$0x0] =	vst.idx.msk $0xffff, v61  }
0xab: {  	p0 =	sne.s32 s6, $0x1;
	[tilespmem:v30+s12+$0x0] =	vst.idx.msk $0xffff, v62  }
.Ltmp0:
0xac: {  	[tilespmem:v31+s12+$0x0] =	vst.idx.msk $0xffff, v63;
	(pc) =	sbr.rel @p0 .LBB2_1-.Ltmp0, $4  }
0xad: {  	[hbm4b:s1+s9] =	stream.indirect.scatter [tilespmem:s12], [sflag:$0x1], $0x10, s3, s9, $0xb8;
	[tilespmem:$0x620] =	vst v63  }
0xae: {  	_ =	swait.ge [sflag:s11], $0x200  }
0xaf: {  	[sflag:s11] =	ssyncset.done $0x0  }
0xb0: {  	s6 =	sadd.s32 $0xFFFFFFFF, s6;
	[sflag:s11] =	ssyncadd.s32 $0xFFFFFE00  }
0xb1: {  	_ =	sfence.sel $0x180000  }
0xb2: {  	[bflag:$0x0] =	sbarrier.arrive $0xFFFF  }
0xb3: {  	p0 =	sne.s32 s2, $0x0;
	_ =	strace $0x90000047  }
0xb4: {  	s0 =	sadd.s32 @!p0 $0x100000, s0;
	[bflag:$0x2] =	sbarrier.arrive $0xFFFF  }
0xb5: {  	[sflag:s0] =	ssyncadd.tile.s32 @!p0 $0x1;
	_ =	shalt  }
.Lfunc_end2:
_tile_overlayer_lowered:
.L_overlay_start_2:
0xb6: {  	(tag) =	ssettag $0x2  }
0xb7: {  	s0 =	rddreg [dreg:$0x0];
	s2 =	stileid.u32  }
0xb8: {  	s1 =	rddreg [dreg:$0x1];
	p0 =	sne.s32 s2, $0x0  }
0xb9: {  	s3 =	rddreg [dreg:$0x2];
	[bflag:$0x3] =	sbarrier.arrive $0xFFFF;
	s2 =	simm.s32 @!p0 $0x1C02  }
0xba: {  	[timem:s3], [sflag:s2] =	dma.local @!p0 [hbm:s0], s1  }
0xbb: {  	s0 =	simm.s32 @!p0 $0x2  }
0xbc: {  	_ =	swait.ge @!p0 [sflag:s0], s1  }
0xbd: {  	s1 =	ssub.s32 @!p0 $0x0, s1;
	[sflag:s0] =	ssyncset.done @!p0 $0x0  }
0xbe: {  	[sflag:s0] =	ssyncadd.s32 @!p0 s1  }
0xbf: {  	[bflag:$0x3] =	sbarrier.arrive $0xFFFF  }
0xc0: {  	_ =	shalt  }

// kernel: sparse-core-data-format-call.cloned.1.call-start
scs
called_computation_lowered:
.L_overlay_start_0:
0x0: {  	s2 =	sld [smem:$0x3FD9]  }
0x1: {  	s3 =	sld [smem:$0x3FFE];
	_ =	sdelay $0x1  }
0x2: {  	s1 =	srdreg.scid  }
0x3: {  	s0 =	sand.u32 $0x1, s1  }
0x4: {  	s15 =	sshll.u32 s0, $0xA;
	s2 =	sadd.s32 s3, s2  }
0x5: {  	s2 =	sadd.s32 s2, s15  }
0x6: {  	[smem:$0x3FC4] =	sst s2  }
0x7: {  	_ = 	snop  }
0x8: {  	s2 =	sld [smem:$0x3FD0];
	_ =	sdelay $0x2  }
0x9: {  	s16 =	simm.s32 $0xA;
	s4 =	simm.s32 $0x10  }
0xa: {  	[smem:s4], [sflag:s16] =	dma.local [hbm:s2], $0x1  }
0xb: {  	_ =	swait.eq [sflag:s16], $0x1  }
0xc: {  	[sflag:s16] =	ssyncset.done $0x0  }
0xd: {  	[sflag:s16] =	ssyncadd.s32 $0xFFFFFFFF  }
0xe: {  	s17 =	sld [smem:$0x11];
	(tm) =	ssettm $0x1  }
0xf: {  	s18 =	sld [smem:$0x3FFB];
	_ =	sdelay $0x3  }
0x10: {  	_ =	strace s18  }
0x11: {  	s3 =	sld [smem:$0x3FFC];
	_ =	sdelay $0x3  }
0x12: {  	_ =	strace s3  }
0x13: {  	s3 =	sld [smem:$0x3FFD];
	_ =	sdelay $0x3  }
0x14: {  	_ =	strace s3  }
0x15: {  	_ =	strace $0x8FFFFFFF  }
0x16: {  	s19 =	sld [smem:$0x3FDB];
	_ =	sdelay $0x1  }
0x17: {  	s20 =	simm.s32 $_scs_section_size  }
0x18: {  	s5 =	simm.s32 $_size__tile_overlayer_lowered;
	s6 =	simm.s32 $_tile_overlayer_lowered  }
0x19: {  	s23 =	simm.s32 $0x1BFF;
	s22 =	sshll.u32 s6, $0x1;
	s3 =	sadd.s32 s20, s19  }
0x1a: {  	s7 =	simm.s32 $0x0;
	s21 =	sshll.u32 s5, $0x1;
	s5 =	sadd.s32 s22, s3  }
0x1b: {  	[timem:s7], [sflag:s23] =	dma.local [hbm:s5], s21  }
0x1c: {  	_ =	swait.ge [sflag:s23], s21  }
0x1d: {  	s4 =	ssub.s32 $0x0, s21;
	[sflag:s23] =	ssyncset.done $0x0  }
0x1e: {  	[sflag:s23] =	ssyncadd.s32 s4;
	_ =	sdelay $0x1  }
0x1f: {  	s24 =	simm.s32 $0x1B8B  }
0x20: {  	_ =	swait.ge [sflag:s24], $0x1  }
0x21: {  	[sflag:s24] =	ssyncset.done $0x0  }
0x22: {  	s26 =	simm.s32 $0x1B8E;
	s25 =	sld [smem:$0x3FFE];
	[sflag:s24] =	ssyncadd.s32 $0xFFFFFFFF  }
0x23: {  	s27 =	simm.s32 $execute0_lowered;
	[smem:$0x3FD2] =	sst s26  }
0x24: {  	s5 =	sshll.u32 s27, $0x1;
	_ =	strace $0x80000049;
	[dreg:$0x1] =	wrdreg $0xFFFFFFFF  }
0x25: {  	s28 =	simm.s32 $_size_execute0_lowered;
	s3 =	sadd.s32 s3, s5;
	[dreg:$0x0] =	wrdreg $0x0  }
0x26: {  	s5 =	sshll.u32 s28, $0x1;
	[dreg:$0x2] =	wrdreg s3  }
0x27: {  	[dreg:$0x3] =	wrdreg s5  }
0x28: {  	[dreg:$0x4] =	wrdreg $0xC0  }
0x29: {  	_ =	task [dreg:s7], $0x5FFFF  }
0x2a: {  	[dreg:$0x1] =	wrdreg $0xFFFFFFFF  }
0x2b: {  	[dreg:$0x0] =	wrdreg $0x60  }
0x2c: {  	[dreg:$0x2] =	wrdreg s25  }
0x2d: {  	[dreg:$0x3] =	wrdreg s17  }
0x2e: {  	[dreg:$0x4] =	wrdreg $0x9  }
0x2f: {  	_ =	task.clear_ibuf [dreg:s7], $0x5FFFF;
	_ =	strace $0x90000049  }
0x30: {  	s29 =	simm.s32 $0x9;
	_ =	strace $0x8000004B  }
0x31: {  	_ =	swait.ge [sflag:s29], $0x1  }
0x32: {  	[sflag:s29] =	ssyncadd.s32 $0xFFFFFFFF  }
0x33: {  	_ =	strace $0x9000004B  }
0x34: {  	_ =	sfence  }
0x35: {  	s30 =	sld [smem:$0x0];
	_ =	sdelay $0x2  }
0x36: {  	s31 =	sshll.u32 s1, $0xD;
	s1 =	sshrl.u32 s1, $0x2  }
0x37: {  	s3 =	sand.u32 $0x4000, s31;
	s1 =	sadd.s32 s1, s30  }
0x38: {  	s0 =	sor.u32 s3, s0;
	s1 =	sshll.u32 s1, $0x11  }
0x39: {  	s0 =	sor.u32 s1, s0  }
0x3a: {  	s0 =	sadd.s32 $0x8F2B, s0  }
0x3b: {  	[sflag:s0] =	ssyncadd.remote.s32 $0x1  }
0x3c: {  	_ =	sfence.sel $0xFFFF  }
0x3d: {  	[dreg:$0x0] =	wrdreg $0xFFFFFFFF;
	(pc) =	sbr.abs _section_cstart, $3  }
0x3e: {  	[dreg:$0x1] =	wrdreg $0xFFFFFFFF  }
0x3f: {  	_ =	task.clear_ibuf [dreg:s7], $0x2FFFF;
	_ =	strace $0x9FFFFFFF  }
0x40: {  	(tm) =	ssettm $0x7FFFFFFF  }
0x41: {  	_ =	shalt  }
tec
execute0_lowered:
.L_overlay_start_1:
0x0: {  	(tag) =	ssettag $0x1  }
0x1: {  	s4 =	rddreg [dreg:$0x0]  }
0x2: {  	s0 =	srdreg.scid;
	s2 =	rddreg [dreg:$0x1]  }
0x3: {  	s1 =	stileid.u32;
	s5 =	simm.s32 $0x1;
	s0 =	sshll.u32 s0, $0x4  }
0x4: {  	s7 =	simm.s32 $0x2;
	s11 =	simm.s32 $0x0;
	s3 =	sand.u32 $0x10, s0  }
.Ltmp0:
0x5: {  	p0 =	por $0x0, $0x0;
	s3 =	sor.u32 s1, s3;
	(pc) =	sbr.rel .LBB1_1-.Ltmp0, $4  }
0x6: {  	s8 =	simm.s32 $0x7A1400;
	s10 =	simm.s32 $0x0;
	s3 =	sshll.u32 s3, $0x7  }
0x7: {  	s0 =	rddreg [dreg:$0x2];
	_ =	strace $0x8000004A;
	s6 =	ssub.s32 $0xF4200, s3  }
0x8: {  	s4 =	sadd.s32 $0xE00, s4;
	[sflag:s5] =	ssyncpa.u1 $0x0;
	s6 =	sshrl.u32 s6, $0xC  }
0x9: {  	[sflag:s7] =	ssyncpa.u1 $0x0;
	s9 =	smov.u32 s3;
	s7 =	sadd.s32 $0x2, s6  }
.LBB1_5:
0xa: {  	s13 =	sadd.s32 $0x1000, s9  }
0xb: {  	p2 =	sgt.s32 s13, $0xF423F  }
0xc: {  	s13 =	smov.u32 @p2 s3;
	p2 =	sne.s32 s10, s7  }
.Ltmp1:
0xd: {  	p1 =	slt.u32 s10, $0x2;
	(pc) =	sbr.rel @!p2 .LBB1_6-.Ltmp1, $4  }
0xe: {  	s12 =	simm.s32 @!p1 $0x2  }
0xf: {  	s14 =	sadd.s32 $0x1, s10;
	_ =	swait.ge @!p1 [sflag:s12], $0x800  }
0x10: {  	s11 =	smov.u32 s9;
	p0 =	por !p0, !p0;
	[sflag:s12] =	ssyncset.done @!p1 $0x0  }
0x11: {  	s10 =	smov.u32 s14;
	s9 =	smov.u32 s13;
	[sflag:s12] =	ssyncadd.s32 @!p1 $0xFFFFF800  }
.LBB1_1:
0x12: {  	p1 =	sgt.u32 s10, s6  }
0x13: {  	s13 =	smov.u32 s9;
	p2 =	sgt.s32 @!p1 s9, $0xF41C0  }
0x14: {  	s12 =	sand.u32 @!p1 $0x1FFFFFF, s9;
	s14 =	sshra.s32 @!p1 s9, $0x1F;
	p2 =	por !p2, p1  }
0x15: {  	s15 =	smulhi.u32 @!p1 $0x218DEF5, s12;
	s14 =	sand.u32 @!p1 s14, s9;
	s13 =	simm.s32 @p2 $0xF41C0  }
0x16: {  	s13 =	ssub.s32 @!p1 s13, s14  }
0x17: {  	s14 =	sshrl.u32 @!p1 s15, $0xD;
	s13 =	sadd.s32 @!p1 $0xFFF0BE40, s13  }
0x18: {  	s15 =	sxor.u32 @!p1 $0xFFFFFFFF, s10;
	s14 =	smul.u32 @!p1 $0xF4240, s14;
	s16 =	sshll.u32 @!p1 s13, $0x6  }
0x19: {  	s15 =	sshll.u32 @!p1 s15, $0xB;
	p2 =	sgt.s32 @!p1 s13, $0x7F;
	s13 =	ssub.s32 @!p1 $0x2000, s16  }
0x1a: {  	s12 =	ssub.s32 @!p1 s12, s14;
	p2 =	por !p2, p1;
	s14 =	sand.u32 @!p1 $0x800, s15  }
0x1b: {  	s15 =	simm.s32 @!p1 $0x10;
	s13 =	sshrl.u32 @!p1 s13, $0x2;
	s12 =	sshll.u32 @!p1 s12, $0x4  }
0x1c: {  	s16 =	simm.s32 @!p1 $0x80;
	s13 =	simm.s32 @!p2 $0x0;
	s12 =	sadd.s32 @!p1 s4, s12  }
0x1d: {  	[tilespmem:s14], [sflag:$0x1] =	stream.strided.gather @!p1 [hbm4b:s12+s15], s13, s16, s15, $0x38;
	[tilespmem:$0x2020] =	vst v63  }
0x1e: {  	p1 =	seq.s32 s10, $0x0  }
0x1f: {  	p2 =	sge.u32 @!p1 s10, s7  }
0x20: {  	p1 =	por p1, p2  }
.Ltmp2:
0x21: {  	_ = 	snop;
	(pc) =	sbr.rel @p1 .LBB1_5-.Ltmp2, $1  }
0x22: {  	_ =	sdelay $0x3  }
0x23: {  	p1 =	sgt.s32 s11, $0xF41C0;
	s12 =	smov.u32 s11;
	s13 =	sshra.s32 s11, $0x1F  }
0x24: {  	s12 =	simm.s32 @!p1 $0xF41C0;
	s13 =	sand.u32 s13, s11  }
0x25: {  	s12 =	ssub.s32 s12, s13  }
0x26: {  	s12 =	sadd.s32 $0xFFF0BE40, s12  }
0x27: {  	s29 =	sshll.u32 s12, $0x6  }
0x28: {  	s13 =	ssub.s32 $0x2000, s29  }
0x29: {  	p1 =	sgt.s32 s12, $0x7F;
	s12 =	sshrl.u32 s13, $0x2  }
0x2a: {  	s13 =	simm.s32 $0x1;
	s12 =	simm.s32 @p1 $0x0  }
0x2b: {  	s13 =	simm.s32 @!p0 $0x0;
	_ =	swait.ge [sflag:s5], s12  }
0x2c: {  	s14 =	sshll.u32 s13, $0xB;
	s12 =	ssub.s32 $0x0, s12;
	[sflag:s5] =	ssyncset.done $0x0  }
0x2d: {  	s15 =	sor.u32 $0x40, s14;
	[sflag:s5] =	ssyncadd.s32 s12  }
0x2e: {  	v1 =	vld [tilespmem:s15+$0x30]  }
0x2f: {  	s30 =	smul.u32 $0x2040, s13;
	v4 =	vld [tilespmem:s15+$0xFFFFFFD0]  }
0x30: {  	v5 =	vld [tilespmem:s15+$0xFFFFFFE0]  }
0x31: {  	s31 =	sand.u32 $0x1, s10;
	s12 =	sshrl.u32 s30, $0x2;
	v2 =	vld [tilespmem:s15+$0xFFFFFFF0]  }
0x32: {  	s13 =	smul.u32 $0x2040, s31;
	s12 =	sor.u32 $0x1007, s12;
	v3 =	vld [tilespmem:s15+$0x0]  }
0x33: {  	v0 =	vld [tilespmem:s15+$0x10];
	[tilespmem:s12+$0x0 ss:$0x81] =	vst.msk $0xffff, v1  }
0x34: {  	s13 =	sshrl.u32 s13, $0x2;
	[tilespmem:s12+$0xFFFFFFFA ss:$0x81] =	vst.msk $0xffff, v4;
	v4 =	vld [tilespmem:s15+$0x20]  }
0x35: {  	s14 =	simm.s32 $0x0;
	s13 =	sor.u32 $0x1000, s13;
	v1 =	vld [tilespmem:s15+$0xFFFFFFC0];
	[tilespmem:s12+$0xFFFFFFFB ss:$0x81] =	vst.msk $0xffff, v5;
	s15 =	sadd.s32 $0x80, s15  }
.LBB1_3:
0x36: {  	v5 =	vld [tilespmem:s15+$0x30];
	s14 =	sadd.s32 $0x8, s14;
	[tilespmem:s12+$0xFFFFFFFC ss:$0x81] =	vst.msk $0xffff, v2  }
0x37: {  	v6 =	vld [tilespmem:s15+$0xFFFFFFD0];
	p1 =	slt.u32 s14, $0x78;
	[tilespmem:s12+$0xFFFFFFFD ss:$0x81] =	vst.msk $0xffff, v3  }
0x38: {  	v7 =	vld [tilespmem:s15+$0xFFFFFFE0];
	[tilespmem:s12+$0xFFFFFFFE ss:$0x81] =	vst.msk $0xffff, v0  }
.Ltmp3:
0x39: {  	v2 =	vld [tilespmem:s15+$0xFFFFFFF0];
	[tilespmem:s12+$0xFFFFFFFF ss:$0x81] =	vst.msk $0xffff, v4;
	(pc) =	sbr.rel @p1 .LBB1_3-.Ltmp3, $4  }
0x3a: {  	v3 =	vld [tilespmem:s15+$0x0];
	[tilespmem:s12+$0xFFFFFFF9 ss:$0x81] =	vst.msk $0xffff, v1;
	s12 =	sadd.s32 $0x8, s12  }
0x3b: {  	v0 =	vld [tilespmem:s15+$0x10];
	[tilespmem:s12+$0x0 ss:$0x81] =	vst.msk $0xffff, v5  }
0x3c: {  	[tilespmem:s12+$0xFFFFFFFA ss:$0x81] =	vst.msk $0xffff, v6;
	v4 =	vld [tilespmem:s15+$0x20]  }
0x3d: {  	v1 =	vld [tilespmem:s15+$0xFFFFFFC0];
	[tilespmem:s12+$0xFFFFFFFB ss:$0x81] =	vst.msk $0xffff, v7;
	s15 =	sadd.s32 $0x80, s15  }
0x3e: {  	s14 =	sshll.u32 s11, $0x3  }
0x3f: {  	s30 =	sand.u32 $0x7F, s11;
	s14 =	sand.u32 $0xFFFFFC00, s14  }
0x40: {  	s11 =	sor.u32 s30, s14  }
0x41: {  	s15 =	smulhi.u32 $0x218D6287, s11;
	_ =	sdelay $0x1  }
0x42: {  	s14 =	smulhi.u32 $0x218D6287, s14;
	s15 =	sshrl.u32 s15, $0x11  }
0x43: {  	s15 =	smul.u32 $0xF4280, s15  }
0x44: {  	[tilespmem:s12+$0xFFFFFFFC ss:$0x81] =	vst.msk $0xffff, v2;
	s14 =	sshrl.u32 s14, $0x11  }
.Ltmp4:
0x45: {  	[tilespmem:s12+$0xFFFFFFFD ss:$0x81] =	vst.msk $0xffff, v3;
	s14 =	sand.u32 $0xF, s14;
	s11 =	ssub.s32 s11, s15;
	(pc) =	sbr.rel .LBB1_5-.Ltmp4, $4  }
0x46: {  	[tilespmem:s12+$0xFFFFFFFE ss:$0x81] =	vst.msk $0xffff, v0;
	s14 =	smul.u32 $0x1E850, s14;
	s15 =	sshrl.u32 s11, $0x3;
	s11 =	sand.u32 $0x7, s11  }
0x47: {  	[tilespmem:s12+$0xFFFFFFFF ss:$0x81] =	vst.msk $0xffff, v4;
	s15 =	sadd.s32 s2, s15;
	s11 =	sshll.u32 s11, $0x12  }
0x48: {  	[tilespmem:s12+$0xFFFFFFF9 ss:$0x81] =	vst.msk $0xffff, v1;
	s31 =	sadd.s32 s14, s15;
	s11 =	sor.u32 $0x400, s11  }
0x49: {  	[hbm4b:s31+s11] =	stream.strided.scatter [tilespmem:s13], [sflag:$0x2], $0x800, s8, s11, $0x20;
	[tilespmem:$0x2020] =	vst v63  }
.LBB1_6:
0x4a: {  	_ =	sfence.sel $0x180000  }
0x4b: {  	s2 =	simm.s32 $0x1;
	[bflag:$0x0] =	sbarrier.arrive $0xFFFF  }
0x4c: {  	s31 =	simm.s32 $0x2;
	[sflag:s2] =	ssyncpa.u1 $0x1  }
0x4d: {  	[sflag:s31] =	ssyncpa.u1 $0x1  }
0x4e: {  	p0 =	sne.s32 s1, $0x0;
	_ =	strace $0x9000004A  }
0x4f: {  	s0 =	sadd.s32 @!p0 $0x100000, s0;
	[bflag:$0x2] =	sbarrier.arrive $0xFFFF  }
0x50: {  	[sflag:s0] =	ssyncadd.tile.s32 @!p0 $0x1;
	_ =	shalt  }
.Lfunc_end1:
_tile_overlayer_lowered:
.L_overlay_start_2:
0x51: {  	(tag) =	ssettag $0x2  }
0x52: {  	s0 =	rddreg [dreg:$0x0];
	s2 =	stileid.u32  }
0x53: {  	s1 =	rddreg [dreg:$0x1];
	p0 =	sne.s32 s2, $0x0  }
0x54: {  	s3 =	rddreg [dreg:$0x2];
	[bflag:$0x3] =	sbarrier.arrive $0xFFFF;
	s2 =	simm.s32 @!p0 $0x1C01  }
0x55: {  	[timem:s3], [sflag:s2] =	dma.local @!p0 [hbm:s0], s1  }
0x56: {  	s0 =	simm.s32 @!p0 $0x1  }
0x57: {  	_ =	swait.ge @!p0 [sflag:s0], s1  }
0x58: {  	s1 =	ssub.s32 @!p0 $0x0, s1;
	[sflag:s0] =	ssyncset.done @!p0 $0x0  }
0x59: {  	[sflag:s0] =	ssyncadd.s32 @!p0 s1  }
0x5a: {  	[bflag:$0x3] =	sbarrier.arrive $0xFFFF  }
0x5b: {  	_ =	shalt  }

</sc_bundles>
